<compile_context>
chip_gen: v7x
topology: tpu7x:2x2x1
jax: 0.10.2.dev20260603
libtpu: 0.0.44.dev20260713+nightly
codegen_flags: <defaults>
</compile_context>

<pallas_src>
import functools

import jax
import jax.numpy as jnp
from jax import lax
from jax.experimental import pallas as pl
from jax.experimental.pallas import tpu as pltpu
from jax.experimental.pallas import tpu_sc as plsc

T = 2048
DIM = 1024
HID = 1024
E = 8
BB = 256
NB = 24
NPAD = NB * BB
BT2 = 512

NW = 32



def _router_kernel(x_ref, gw_ref, w01_ref, pos0_ref, pos1_ref, eb_ref,
                   chg_ref, par_ref, nxt_ref):
    xb = x_ref[...].astype(jnp.bfloat16)
    gw = gw_ref[...].astype(jnp.bfloat16)
    logits = lax.dot_general(xb, gw, (((1,), (1,)), ((), ())),
                             preferred_element_type=jnp.float32)
    scores = jax.nn.sigmoid(logits)
    lane = lax.broadcasted_iota(jnp.int32, (T, E), 1)
    m1 = jnp.max(scores, axis=1, keepdims=True)
    i1 = jnp.min(jnp.where(scores >= m1, lane, E), axis=1, keepdims=True)
    sel1 = lane == i1
    masked = jnp.where(sel1, -1.0, scores)
    m2 = jnp.max(masked, axis=1, keepdims=True)
    i2 = jnp.min(jnp.where(masked >= m2, lane, E), axis=1, keepdims=True)
    sel2 = lane == i2
    denom = m1 + m2 + 1e-20
    w01_ref[...] = jnp.concatenate([m1 / denom, m2 / denom], axis=1)

    maskE = (sel1 | sel2).astype(jnp.bfloat16)
    r_io = lax.broadcasted_iota(jnp.int32, (T, T), 0)
    c_io = lax.broadcasted_iota(jnp.int32, (T, T), 1)
    tri = (c_io < r_io).astype(jnp.bfloat16)
    rank = lax.dot_general(tri, maskE, (((1,), (0,)), ((), ())),
                           preferred_element_type=jnp.float32)

    maskf = maskE.astype(jnp.float32)
    counts = jnp.sum(maskf, axis=0, keepdims=True)
    nb = jnp.ceil(counts * (1.0 / BB))
    e_r = lax.broadcasted_iota(jnp.int32, (E, E), 0)
    e_c = lax.broadcasted_iota(jnp.int32, (E, E), 1)
    m8 = (e_r < e_c).astype(jnp.float32)
    bs = lax.dot_general(nb, m8, (((1,), (0,)), ((), ())),
                         preferred_element_type=jnp.float32)
    po = bs * float(BB)

    rank_po = rank + po
    pos0 = jnp.sum(jnp.where(sel1, rank_po, 0.0), axis=1, keepdims=True)
    pos1 = jnp.sum(jnp.where(sel2, rank_po, 0.0), axis=1, keepdims=True)
    pos0_ref[...] = pos0.astype(jnp.int32)
    pos1_ref[...] = pos1.astype(jnp.int32)

    ones_t = jnp.ones((T, 1), jnp.float32)
    counts_col = lax.dot_general(maskf, ones_t, (((0,), (0,)), ((), ())))
    nb_col = jnp.ceil(counts_col * (1.0 / BB))
    m8t = (e_c < e_r).astype(jnp.float32)
    bs_col = lax.dot_general(m8t, nb_col, (((1,), (0,)), ((), ())))
    b_io = lax.broadcasted_iota(jnp.int32, (E, NB), 1).astype(jnp.float32)
    e_io = lax.broadcasted_iota(jnp.int32, (E, NB), 0)
    ind = ((b_io >= bs_col) & (e_io >= 1)).astype(jnp.float32)
    ones_e = jnp.ones((1, E), jnp.float32)
    eb = lax.dot_general(ones_e, ind, (((1,), (0,)), ((), ())))
    eb_ref[...] = eb.astype(jnp.int32)

    chg = jnp.concatenate(
        [jnp.zeros((1, 1), jnp.float32),
         (eb[:, 1:] != eb[:, :-1]).astype(jnp.float32)], axis=1)
    b_r = lax.broadcasted_iota(jnp.int32, (NB, NB), 0)
    b_c = lax.broadcasted_iota(jnp.int32, (NB, NB), 1)
    trinb = (b_r <= b_c).astype(jnp.float32)
    cum = lax.dot_general(chg, trinb, (((1,), (0,)), ((), ())))
    par = cum - 2.0 * jnp.floor(cum * 0.5)
    chg_ref[...] = chg.astype(jnp.int32)
    par_ref[...] = par.astype(jnp.int32)

    ones_ecol = jnp.ones((E, 1), jnp.float32)
    ebc = lax.dot_general(ind, ones_ecol, (((0,), (0,)), ((), ())))
    chg_col = jnp.concatenate(
        [jnp.zeros((1, 1), jnp.float32),
         (ebc[1:] != ebc[:-1]).astype(jnp.float32)], axis=0)
    cand = jnp.where((b_r > b_c) & (chg_col > 0.5), b_r, NB)
    nxt_ref[...] = jnp.min(cand, axis=0, keepdims=True).astype(jnp.int32)


def _router(x, gate_w, interpret=False):
    return pl.pallas_call(
        _router_kernel,
        out_shape=(
            jax.ShapeDtypeStruct((T, 2), jnp.float32),
            jax.ShapeDtypeStruct((T, 1), jnp.int32),
            jax.ShapeDtypeStruct((T, 1), jnp.int32),
            jax.ShapeDtypeStruct((1, NB), jnp.int32),
            jax.ShapeDtypeStruct((1, NB), jnp.int32),
            jax.ShapeDtypeStruct((1, NB), jnp.int32),
            jax.ShapeDtypeStruct((1, NB), jnp.int32),
        ),
        interpret=interpret,
    )(x, gate_w)



def _sc_dispatch_body(x_hbm, p0_hbm, p1_hbm, xg_hbm, idx_v, rows_v, sem):
    wid = lax.axis_index("s") * 2 + lax.axis_index("c")
    kk = wid // 16
    wi = wid % 16

    @pl.when(kk == 0)
    def _():
        pltpu.sync_copy(p0_hbm.at[wi], idx_v)

    @pl.when(kk == 1)
    def _():
        pltpu.sync_copy(p1_hbm.at[wi], idx_v)

    for c4 in range(4):
        pltpu.sync_copy(x_hbm.at[pl.ds(wi * 128 + c4 * 32, 32)], rows_v)
        pltpu.async_copy(rows_v, xg_hbm.at[idx_v.at[c4]], sem).wait()



def _wcopies(w1_hbm, w3_hbm, w2_hbm, buf, sem, e_idx):
    c1 = pltpu.make_async_copy(w1_hbm.at[e_idx], buf.at[0], sem)
    c3 = pltpu.make_async_copy(w3_hbm.at[e_idx], buf.at[1], sem)
    c2 = pltpu.make_async_copy(w2_hbm.at[e_idx], buf.at[2], sem)
    return c1, c3, c2


def _ffn_kernel(eb_ref, chg_ref, par_ref, nxt_ref, xg_ref,
                w1_hbm, w3_hbm, w2_hbm, yg_ref, wa_ref, wb_ref,
                sema, semb, iss_ref):
    b = pl.program_id(0)
    e = eb_ref[b]
    slot = par_ref[b]
    chg = chg_ref[b]

    @pl.when(b == 0)
    def _():
        iss_ref[0] = 0
        for c in _wcopies(w1_hbm, w3_hbm, w2_hbm, wa_ref, sema, e):
            c.start()

    @pl.when((b == 0) | (chg == 1))
    def _():
        @pl.when(slot == 0)
        def _():
            for c in _wcopies(w1_hbm, w3_hbm, w2_hbm, wa_ref, sema, e):
                c.wait()

        @pl.when(slot == 1)
        def _():
            for c in _wcopies(w1_hbm, w3_hbm, w2_hbm, wb_ref, semb, e):
                c.wait()

    n = nxt_ref[b]

    @pl.when((n < NB) & (iss_ref[0] < n))
    def _():
        nn = jnp.minimum(n, NB - 1)
        en = eb_ref[nn]
        iss_ref[0] = n

        @pl.when(slot == 0)
        def _():
            for c in _wcopies(w1_hbm, w3_hbm, w2_hbm, wb_ref, semb, en):
                c.start()

        @pl.when(slot == 1)
        def _():
            for c in _wcopies(w1_hbm, w3_hbm, w2_hbm, wa_ref, sema, en):
                c.start()

    x = xg_ref[...]

    def compute(buf):
        h1 = lax.dot_general(x, buf[0], (((1,), (1,)), ((), ())),
                             preferred_element_type=jnp.float32)
        h3 = lax.dot_general(x, buf[1], (((1,), (1,)), ((), ())),
                             preferred_element_type=jnp.float32)
        h = h1 * jax.nn.sigmoid(h1) * h3
        yg_ref[...] = lax.dot_general(h, buf[2], (((1,), (1,)), ((), ())),
                                      preferred_element_type=jnp.float32)

    @pl.when(slot == 0)
    def _():
        compute(wa_ref)

    @pl.when(slot == 1)
    def _():
        compute(wb_ref)


def _ffn(eb_flat, chg_flat, par_flat, nxt_flat, xg, w1, w3, w2,
         interpret=False):
    grid_spec = pltpu.PrefetchScalarGridSpec(
        num_scalar_prefetch=4,
        grid=(NB,),
        in_specs=[
            pl.BlockSpec((BB, DIM), lambda b, *_: (b, 0)),
            pl.BlockSpec(memory_space=pl.ANY),
            pl.BlockSpec(memory_space=pl.ANY),
            pl.BlockSpec(memory_space=pl.ANY),
        ],
        out_specs=pl.BlockSpec((BB, DIM), lambda b, *_: (b, 0)),
        scratch_shapes=[
            pltpu.VMEM((3, HID, DIM), jnp.float32),
            pltpu.VMEM((3, HID, DIM), jnp.float32),
            pltpu.SemaphoreType.DMA,
            pltpu.SemaphoreType.DMA,
            pltpu.SMEM((1,), jnp.int32),
        ],
    )
    return pl.pallas_call(
        _ffn_kernel,
        grid_spec=grid_spec,
        out_shape=jax.ShapeDtypeStruct((NPAD, DIM), jnp.float32),
        interpret=interpret,
    )(eb_flat, chg_flat, par_flat, nxt_flat, xg, w1, w3, w2)



def _sc_combine_body(yg_hbm, p0_hbm, p1_hbm, a0_hbm, a1_hbm, idx_v, rows_v, sem):
    wid = lax.axis_index("s") * 2 + lax.axis_index("c")
    base = wid * 64
    pltpu.sync_copy(p0_hbm.at[pl.ds(base, 64)], idx_v)
    pltpu.async_copy(yg_hbm.at[idx_v], rows_v, sem).wait()
    pltpu.sync_copy(rows_v, a0_hbm.at[pl.ds(base, 64)])
    pltpu.sync_copy(p1_hbm.at[pl.ds(base, 64)], idx_v)
    pltpu.async_copy(yg_hbm.at[idx_v], rows_v, sem).wait()
    pltpu.sync_copy(rows_v, a1_hbm.at[pl.ds(base, 64)])


@functools.cache
def _sc_kernels():
    mesh = plsc.VectorSubcoreMesh(core_axis_name="c", subcore_axis_name="s")
    dispatch = pl.kernel(
        _sc_dispatch_body,
        out_type=jax.ShapeDtypeStruct((NPAD, DIM), jnp.float32),
        mesh=mesh,
        scratch_types=[
            pltpu.VMEM((4, 32), jnp.int32),
            pltpu.VMEM((32, DIM), jnp.float32),
            pltpu.SemaphoreType.DMA,
        ],
    )
    combine = pl.kernel(
        _sc_combine_body,
        out_type=(jax.ShapeDtypeStruct((T, DIM), jnp.float32),
                  jax.ShapeDtypeStruct((T, DIM), jnp.float32)),
        mesh=mesh,
        scratch_types=[
            pltpu.VMEM((64,), jnp.int32),
            pltpu.VMEM((64, DIM), jnp.float32),
            pltpu.SemaphoreType.DMA,
        ],
    )
    return dispatch, combine



def _shared_kernel(x_ref, sw1_ref, sw3_ref, sw2_ref, out_ref):
    x = x_ref[...]
    h1 = lax.dot_general(x, sw1_ref[...], (((1,), (1,)), ((), ())),
                         preferred_element_type=jnp.float32)
    h3 = lax.dot_general(x, sw3_ref[...], (((1,), (1,)), ((), ())),
                         preferred_element_type=jnp.float32)
    h = h1 * jax.nn.sigmoid(h1) * h3
    out_ref[...] = lax.dot_general(h, sw2_ref[...], (((1,), (1,)), ((), ())),
                                   preferred_element_type=jnp.float32)


def _combine_kernel(sh_ref, a0_ref, a1_ref, w01_ref, out_ref):
    w = w01_ref[...]
    out_ref[...] = (sh_ref[...]
                    + w[:, 0:1] * a0_ref[...]
                    + w[:, 1:2] * a1_ref[...])



def kernel(x, gate_w, w1, w2, w3, sw1, sw2, sw3):
    w01, pos0, pos1, eb, chg, par, nxt = _router(x, gate_w)
    p0s = pos0.reshape(16, 4, 32)
    p1s = pos1.reshape(16, 4, 32)
    sc_dispatch, sc_combine = _sc_kernels()
    xg = sc_dispatch(x, p0s, p1s)
    yg = _ffn(eb.reshape(NB), chg.reshape(NB), par.reshape(NB),
              nxt.reshape(NB), xg, w1, w3, w2)
    a0, a1 = sc_combine(yg, pos0.reshape(T), pos1.reshape(T))
    shared = pl.pallas_call(
        _shared_kernel,
        grid=(T // BT2,),
        in_specs=[
            pl.BlockSpec((BT2, DIM), lambda i: (i, 0)),
            pl.BlockSpec((HID, DIM), lambda i: (0, 0)),
            pl.BlockSpec((HID, DIM), lambda i: (0, 0)),
            pl.BlockSpec((DIM, HID), lambda i: (0, 0)),
        ],
        out_specs=pl.BlockSpec((BT2, DIM), lambda i: (i, 0)),
        out_shape=jax.ShapeDtypeStruct((T, DIM), jnp.float32),
    )(x, sw1, sw3, sw2)
    out = pl.pallas_call(
        _combine_kernel,
        grid=(T // BT2,),
        in_specs=[
            pl.BlockSpec((BT2, DIM), lambda i: (i, 0)),
            pl.BlockSpec((BT2, DIM), lambda i: (i, 0)),
            pl.BlockSpec((BT2, DIM), lambda i: (i, 0)),
            pl.BlockSpec((BT2, 2), lambda i: (i, 0)),
        ],
        out_specs=pl.BlockSpec((BT2, DIM), lambda i: (i, 0)),
        out_shape=jax.ShapeDtypeStruct((T, DIM), jnp.float32),
    )(shared, a0, a1, w01)
    return out

# --- scband reference (transcript-rebuilt; emitter-appended) ---
"""Pipeline reference for scband-lla-ma4-symm-mem-mo-e-66915590472171 (READ-ONLY COPY).

The authoritative reference and input builder live on the scoring server;
editing this copy changes nothing except your own understanding.
"""

import jax, jax.numpy as jnp
import numpy as np

T = 2048
DIM = 1024
HID = 1024
E = 8
TOPK = 2
N_SHARED = 1
ROUTE_NORM = True
ROUTE_SCALE = 1.0


def setup_inputs(seed: int = 0) -> dict:
    key = jax.random.key(seed)
    ks = jax.random.split(key, 8)
    s = 0.02
    x = jax.random.normal(ks[0], (T, DIM), dtype=jnp.float32)
    gate_w = jax.random.normal(ks[1], (E, DIM), dtype=jnp.float32) * s
    w1 = jax.random.normal(ks[2], (E, HID, DIM), dtype=jnp.float32) * s
    w3 = jax.random.normal(ks[3], (E, HID, DIM), dtype=jnp.float32) * s
    w2 = jax.random.normal(ks[4], (E, DIM, HID), dtype=jnp.float32) * s
    sh = HID * N_SHARED
    sw1 = jax.random.normal(ks[5], (sh, DIM), dtype=jnp.float32) * s
    sw3 = jax.random.normal(ks[6], (sh, DIM), dtype=jnp.float32) * s
    sw2 = jax.random.normal(ks[7], (DIM, sh), dtype=jnp.float32) * s
    return {"x": x, "gate_w": gate_w, "w1": w1, "w2": w2, "w3": w3,
            "sw1": sw1, "sw2": sw2, "sw3": sw3}


def reference(x, gate_w, w1, w2, w3, sw1, sw2, sw3):
    # --- DeepSeek V3 style router (score_func='sigmoid') ---
    logits = x @ gate_w.T                      # [T, E]
    scores = jax.nn.sigmoid(logits)
    top_vals, top_idx = jax.lax.top_k(scores, TOPK)   # [T, k]
    weights = top_vals
    if ROUTE_NORM:
        weights = weights / (jnp.sum(weights, axis=-1, keepdims=True) + 1e-20)
    weights = weights * ROUTE_SCALE
    # combine weights as dense [T, E] matrix
    onehot = jax.nn.one_hot(top_idx, E, dtype=x.dtype)          # [T, k, E]
    combine = jnp.sum(onehot * weights[..., None], axis=1)      # [T, E]
    # --- routed experts: SwiGLU FFN per expert ---
    h1 = jnp.einsum('td,ehd->eth', x, w1)      # [E, T, H]
    h3 = jnp.einsum('td,ehd->eth', x, w3)
    h = jax.nn.silu(h1) * h3
    ye = jnp.einsum('eth,edh->etd', h, w2)     # [E, T, D]
    routed = jnp.einsum('etd,te->td', ye, combine)              # [T, D]
    # --- shared expert(s) applied to all tokens ---
    sh = jax.nn.silu(x @ sw1.T) * (x @ sw3.T)
    shared_out = sh @ sw2.T
    return routed + shared_out

if __name__ == "__main__":
    import jax
    _d = setup_inputs()
    print(jax.jit(kernel)(*tuple(_d.values())))

</pallas_src>

<mosaic_0001>
#map = affine_map<(d0, d1) -> (0, 0)>
#map1 = affine_map<(d0, d1) -> (0)>
module attributes {stable_mosaic.version = 14 : i64} {
  func.func @_sc_combine_body(%arg0: i32, %arg1: i32, %arg2: memref<6144x1024xf32, #tpu.memory_space<hbm>>, %arg3: memref<2048xi32, #tpu.memory_space<hbm>>, %arg4: memref<2048xi32, #tpu.memory_space<hbm>>, %arg5: memref<2048x1024xf32, #tpu.memory_space<hbm>>, %arg6: memref<2048x1024xf32, #tpu.memory_space<hbm>>, %arg7: memref<64xi32, #tpu.memory_space<vmem>>, %arg8: memref<64x1024xf32, #tpu.memory_space<vmem>>, %arg9: memref<!tpu.dma_semaphore, #tpu.memory_space<semaphore_mem>>) attributes {dimension_semantics = [#tpu.dimension_semantics<core_parallel>, #tpu.dimension_semantics<subcore_parallel>], iteration_bounds = array<i64: 2, 16>, scalar_prefetch = 0 : i64, scratch_operands = 3 : i64, tpu.core_type = #tpu.core_type<sc_vector_subcore>, window_params = [{transform_indices = #map}, {transform_indices = #map1}, {transform_indices = #map1}, {transform_indices = #map}, {transform_indices = #map}]} {
    %mul3A = arith.constant 2 : i32
    %mul3A_0 = arith.muli %arg1, %mul3A : i32
    %add3A = arith.addi %mul3A_0, %arg0 : i32
    %mul3A_1 = arith.constant 64 : i32
    %mul3A_2 = arith.muli %add3A, %mul3A_1 : i32
    "tpu.region"() ({
      %run_scoped3A = tpu.sem_alloc : memref<!tpu.dma_semaphore, #tpu.memory_space<semaphore_mem>>
      %dma_start3A_13 = tpu.memref_slice %arg3[%mul3A_2] : memref<2048xi32, #tpu.memory_space<hbm>> -> memref<64xi32, #tpu.memory_space<hbm>>
      %dma_start3A_14 = tpu.memref_slice %arg3[%mul3A_2] : memref<2048xi32, #tpu.memory_space<hbm>> -> memref<64xi32, #tpu.memory_space<hbm>>
      tpu.enqueue_dma source(%dma_start3A_14 : memref<64xi32, #tpu.memory_space<hbm>>) target(%arg7 : memref<64xi32, #tpu.memory_space<vmem>>) target_semaphore(%run_scoped3A : memref<!tpu.dma_semaphore, #tpu.memory_space<semaphore_mem>>)
      %dma_wait3A_15 = tpu.memref_slice %arg3[%mul3A_2] : memref<2048xi32, #tpu.memory_space<hbm>> -> memref<64xi32, #tpu.memory_space<hbm>>
      %dma_wait3A_16 = tpu.memref_slice %arg3[%mul3A_2] : memref<2048xi32, #tpu.memory_space<hbm>> -> memref<64xi32, #tpu.memory_space<hbm>>
      tpu.wait_dma2 semaphore(%run_scoped3A : memref<!tpu.dma_semaphore, #tpu.memory_space<semaphore_mem>>) src(%dma_wait3A_16 : memref<64xi32, #tpu.memory_space<hbm>>) dst(%arg7 : memref<64xi32, #tpu.memory_space<vmem>>)
      tpu.yield
    }) : () -> ()
    %dma_start3A = arith.constant 0 : i32
    %dma_start3A_3 = arith.constant 0 : i32
    %dma_start3A_4 = tpu.memref_slice %arg2[%dma_start3A, %dma_start3A_3] : memref<6144x1024xf32, #tpu.memory_space<hbm>> -> memref<6144x1024xf32, #tpu.memory_space<hbm>>
    tpu.enqueue_indirect_dma source(%dma_start3A_4 : memref<6144x1024xf32, #tpu.memory_space<hbm>>) target(%arg8 : memref<64x1024xf32, #tpu.memory_space<vmem>>) offsets(%arg7 : memref<64xi32, #tpu.memory_space<vmem>>) semaphore(%arg9 : memref<!tpu.dma_semaphore, #tpu.memory_space<semaphore_mem>>)
    %dma_wait3A = arith.constant 0 : i32
    %dma_wait3A_5 = arith.constant 0 : i32
    %dma_wait3A_6 = tpu.memref_slice %arg2[%dma_wait3A, %dma_wait3A_5] : memref<6144x1024xf32, #tpu.memory_space<hbm>> -> memref<6144x1024xf32, #tpu.memory_space<hbm>>
    tpu.wait_indirect_dma semaphore(%arg9 : memref<!tpu.dma_semaphore, #tpu.memory_space<semaphore_mem>>) src(%dma_wait3A_6 : memref<6144x1024xf32, #tpu.memory_space<hbm>>) dst(%arg8 : memref<64x1024xf32, #tpu.memory_space<vmem>>)
    "tpu.region"() ({
      %run_scoped3A = tpu.sem_alloc : memref<!tpu.dma_semaphore, #tpu.memory_space<semaphore_mem>>
      %dma_start3A_13 = arith.constant 0 : i32
      %dma_start3A_14 = tpu.memref_slice %arg5[%mul3A_2, %dma_start3A_13] : memref<2048x1024xf32, #tpu.memory_space<hbm>> -> memref<64x1024xf32, #tpu.memory_space<hbm>>
      %dma_start3A_15 = arith.constant 0 : i32
      %dma_start3A_16 = tpu.memref_slice %arg5[%mul3A_2, %dma_start3A_15] : memref<2048x1024xf32, #tpu.memory_space<hbm>> -> memref<64x1024xf32, #tpu.memory_space<hbm>>
      tpu.enqueue_dma source(%arg8 : memref<64x1024xf32, #tpu.memory_space<vmem>>) target(%dma_start3A_16 : memref<64x1024xf32, #tpu.memory_space<hbm>>) target_semaphore(%run_scoped3A : memref<!tpu.dma_semaphore, #tpu.memory_space<semaphore_mem>>)
      %dma_wait3A_17 = arith.constant 0 : i32
      %dma_wait3A_18 = tpu.memref_slice %arg5[%mul3A_2, %dma_wait3A_17] : memref<2048x1024xf32, #tpu.memory_space<hbm>> -> memref<64x1024xf32, #tpu.memory_space<hbm>>
      %dma_wait3A_19 = arith.constant 0 : i32
      %dma_wait3A_20 = tpu.memref_slice %arg5[%mul3A_2, %dma_wait3A_19] : memref<2048x1024xf32, #tpu.memory_space<hbm>> -> memref<64x1024xf32, #tpu.memory_space<hbm>>
      tpu.wait_dma2 semaphore(%run_scoped3A : memref<!tpu.dma_semaphore, #tpu.memory_space<semaphore_mem>>) src(%arg8 : memref<64x1024xf32, #tpu.memory_space<vmem>>) dst(%dma_wait3A_20 : memref<64x1024xf32, #tpu.memory_space<hbm>>)
      tpu.yield
    }) : () -> ()
    "tpu.region"() ({
      %run_scoped3A = tpu.sem_alloc : memref<!tpu.dma_semaphore, #tpu.memory_space<semaphore_mem>>
      %dma_start3A_13 = tpu.memref_slice %arg4[%mul3A_2] : memref<2048xi32, #tpu.memory_space<hbm>> -> memref<64xi32, #tpu.memory_space<hbm>>
      %dma_start3A_14 = tpu.memref_slice %arg4[%mul3A_2] : memref<2048xi32, #tpu.memory_space<hbm>> -> memref<64xi32, #tpu.memory_space<hbm>>
      tpu.enqueue_dma source(%dma_start3A_14 : memref<64xi32, #tpu.memory_space<hbm>>) target(%arg7 : memref<64xi32, #tpu.memory_space<vmem>>) target_semaphore(%run_scoped3A : memref<!tpu.dma_semaphore, #tpu.memory_space<semaphore_mem>>)
      %dma_wait3A_15 = tpu.memref_slice %arg4[%mul3A_2] : memref<2048xi32, #tpu.memory_space<hbm>> -> memref<64xi32, #tpu.memory_space<hbm>>
      %dma_wait3A_16 = tpu.memref_slice %arg4[%mul3A_2] : memref<2048xi32, #tpu.memory_space<hbm>> -> memref<64xi32, #tpu.memory_space<hbm>>
      tpu.wait_dma2 semaphore(%run_scoped3A : memref<!tpu.dma_semaphore, #tpu.memory_space<semaphore_mem>>) src(%dma_wait3A_16 : memref<64xi32, #tpu.memory_space<hbm>>) dst(%arg7 : memref<64xi32, #tpu.memory_space<vmem>>)
      tpu.yield
    }) : () -> ()
    %dma_start3A_7 = arith.constant 0 : i32
    %dma_start3A_8 = arith.constant 0 : i32
    %dma_start3A_9 = tpu.memref_slice %arg2[%dma_start3A_7, %dma_start3A_8] : memref<6144x1024xf32, #tpu.memory_space<hbm>> -> memref<6144x1024xf32, #tpu.memory_space<hbm>>
    tpu.enqueue_indirect_dma source(%dma_start3A_9 : memref<6144x1024xf32, #tpu.memory_space<hbm>>) target(%arg8 : memref<64x1024xf32, #tpu.memory_space<vmem>>) offsets(%arg7 : memref<64xi32, #tpu.memory_space<vmem>>) semaphore(%arg9 : memref<!tpu.dma_semaphore, #tpu.memory_space<semaphore_mem>>)
    %dma_wait3A_10 = arith.constant 0 : i32
    %dma_wait3A_11 = arith.constant 0 : i32
    %dma_wait3A_12 = tpu.memref_slice %arg2[%dma_wait3A_10, %dma_wait3A_11] : memref<6144x1024xf32, #tpu.memory_space<hbm>> -> memref<6144x1024xf32, #tpu.memory_space<hbm>>
    tpu.wait_indirect_dma semaphore(%arg9 : memref<!tpu.dma_semaphore, #tpu.memory_space<semaphore_mem>>) src(%dma_wait3A_12 : memref<6144x1024xf32, #tpu.memory_space<hbm>>) dst(%arg8 : memref<64x1024xf32, #tpu.memory_space<vmem>>)
    "tpu.region"() ({
      %run_scoped3A = tpu.sem_alloc : memref<!tpu.dma_semaphore, #tpu.memory_space<semaphore_mem>>
      %dma_start3A_13 = arith.constant 0 : i32
      %dma_start3A_14 = tpu.memref_slice %arg6[%mul3A_2, %dma_start3A_13] : memref<2048x1024xf32, #tpu.memory_space<hbm>> -> memref<64x1024xf32, #tpu.memory_space<hbm>>
      %dma_start3A_15 = arith.constant 0 : i32
      %dma_start3A_16 = tpu.memref_slice %arg6[%mul3A_2, %dma_start3A_15] : memref<2048x1024xf32, #tpu.memory_space<hbm>> -> memref<64x1024xf32, #tpu.memory_space<hbm>>
      tpu.enqueue_dma source(%arg8 : memref<64x1024xf32, #tpu.memory_space<vmem>>) target(%dma_start3A_16 : memref<64x1024xf32, #tpu.memory_space<hbm>>) target_semaphore(%run_scoped3A : memref<!tpu.dma_semaphore, #tpu.memory_space<semaphore_mem>>)
      %dma_wait3A_17 = arith.constant 0 : i32
      %dma_wait3A_18 = tpu.memref_slice %arg6[%mul3A_2, %dma_wait3A_17] : memref<2048x1024xf32, #tpu.memory_space<hbm>> -> memref<64x1024xf32, #tpu.memory_space<hbm>>
      %dma_wait3A_19 = arith.constant 0 : i32
      %dma_wait3A_20 = tpu.memref_slice %arg6[%mul3A_2, %dma_wait3A_19] : memref<2048x1024xf32, #tpu.memory_space<hbm>> -> memref<64x1024xf32, #tpu.memory_space<hbm>>
      tpu.wait_dma2 semaphore(%run_scoped3A : memref<!tpu.dma_semaphore, #tpu.memory_space<semaphore_mem>>) src(%arg8 : memref<64x1024xf32, #tpu.memory_space<vmem>>) dst(%dma_wait3A_20 : memref<64x1024xf32, #tpu.memory_space<hbm>>)
      tpu.yield
    }) : () -> ()
    return
  }
}

#map = affine_map<(d0, d1) -> (0, 0)>
#map1 = affine_map<(d0, d1) -> (0, 0, 0)>
module attributes {stable_mosaic.version = 14 : i64} {
  func.func @_sc_dispatch_body(%arg0: i32, %arg1: i32, %arg2: memref<2048x1024xf32, #tpu.memory_space<hbm>>, %arg3: memref<16x4x32xi32, #tpu.memory_space<hbm>>, %arg4: memref<16x4x32xi32, #tpu.memory_space<hbm>>, %arg5: memref<6144x1024xf32, #tpu.memory_space<hbm>>, %arg6: memref<4x32xi32, #tpu.memory_space<vmem>>, %arg7: memref<32x1024xf32, #tpu.memory_space<vmem>>, %arg8: memref<!tpu.dma_semaphore, #tpu.memory_space<semaphore_mem>>) attributes {dimension_semantics = [#tpu.dimension_semantics<core_parallel>, #tpu.dimension_semantics<subcore_parallel>], iteration_bounds = array<i64: 2, 16>, scalar_prefetch = 0 : i64, scratch_operands = 3 : i64, tpu.core_type = #tpu.core_type<sc_vector_subcore>, window_params = [{transform_indices = #map}, {transform_indices = #map1}, {transform_indices = #map1}, {transform_indices = #map}]} {
    %mul3A = arith.constant 2 : i32
    %mul3A_0 = arith.muli %arg1, %mul3A : i32
    %add3A = arith.addi %mul3A_0, %arg0 : i32
    %jit3A = arith.constant 16 : i32
    %div3A = arith.divsi %add3A, %jit3A : i32
    %sign3A = arith.constant 0 : i32
    %sign3A_1 = arith.cmpi sgt, %add3A, %sign3A : i32
    %sign3A_2 = arith.extui %sign3A_1 : i1 to i32
    %sign3A_3 = arith.constant 0 : i32
    %sign3A_4 = arith.cmpi slt, %add3A, %sign3A_3 : i32
    %sign3A_5 = arith.extui %sign3A_4 : i1 to i32
    %sign3A_6 = arith.subi %sign3A_2, %sign3A_5 : i32
    %sign3A_7 = arith.constant 0 : i32
    %sign3A_8 = arith.cmpi sgt, %jit3A, %sign3A_7 : i32
    %sign3A_9 = arith.extui %sign3A_8 : i1 to i32
    %sign3A_10 = arith.constant 0 : i32
    %sign3A_11 = arith.cmpi slt, %jit3A, %sign3A_10 : i32
    %sign3A_12 = arith.extui %sign3A_11 : i1 to i32
    %sign3A_13 = arith.subi %sign3A_9, %sign3A_12 : i32
    %ne3A = arith.cmpi ne, %sign3A_6, %sign3A_13 : i32
    %rem3A = arith.remsi %add3A, %jit3A : i32
    %ne3A_14 = arith.constant 0 : i32
    %ne3A_15 = arith.cmpi ne, %rem3A, %ne3A_14 : i32
    %and3A = arith.andi %ne3A, %ne3A_15 : i1
    %sub3A = arith.constant 1 : i32
    %sub3A_16 = arith.subi %div3A, %sub3A : i32
    %select_n3A = arith.select %and3A, %sub3A_16, %div3A : i32
    %jit3A_17 = arith.constant 16 : i32
    %eq3A = arith.constant 0 : i32
    %eq3A_18 = arith.cmpi eq, %jit3A_17, %eq3A : i32
    %jit3A_19 = arith.constant 1 : i32
    %select_n3A_20 = arith.select %eq3A_18, %jit3A_19, %jit3A_17 : i32
    %rem3A_21 = arith.remsi %add3A, %select_n3A_20 : i32
    %ne3A_22 = arith.constant 0 : i32
    %ne3A_23 = arith.cmpi ne, %rem3A_21, %ne3A_22 : i32
    %lt3A = arith.constant 0 : i32
    %lt3A_24 = arith.cmpi slt, %rem3A_21, %lt3A : i32
    %lt3A_25 = arith.constant 0 : i32
    %lt3A_26 = arith.cmpi slt, %select_n3A_20, %lt3A_25 : i32
    %ne3A_27 = arith.xori %lt3A_24, %lt3A_26 : i1
    %and3A_28 = arith.andi %ne3A_27, %ne3A_23 : i1
    %add3A_29 = arith.addi %rem3A_21, %select_n3A_20 : i32
    %select_n3A_30 = arith.select %and3A_28, %add3A_29, %rem3A_21 : i32
    %eq3A_31 = arith.constant 0 : i32
    %eq3A_32 = arith.cmpi eq, %select_n3A, %eq3A_31 : i32
    %convert_element_type3A = arith.extui %eq3A_32 : i1 to i32
    %cond3A = arith.constant 0 : i32
    %cond3A_33 = arith.cmpi ne, %convert_element_type3A, %cond3A : i32
    scf.if %cond3A_33 {
      "tpu.region"() ({
        %run_scoped3A = tpu.sem_alloc : memref<!tpu.dma_semaphore, #tpu.memory_space<semaphore_mem>>
        %dma_start3A_109 = arith.constant 0 : i32
        %dma_start3A_110 = arith.constant 0 : i32
        %dma_start3A_111 = tpu.memref_slice %arg3[%select_n3A_30, %dma_start3A_109, %dma_start3A_110] : memref<16x4x32xi32, #tpu.memory_space<hbm>> -> memref<1x4x32xi32, #tpu.memory_space<hbm>>
        %dma_start3A_112 = tpu.memref_squeeze %dma_start3A_111 : memref<1x4x32xi32, #tpu.memory_space<hbm>> -> memref<4x32xi32, #tpu.memory_space<hbm>>
        %dma_start3A_113 = arith.constant 0 : i32
        %dma_start3A_114 = arith.constant 0 : i32
        %dma_start3A_115 = tpu.memref_slice %arg3[%select_n3A_30, %dma_start3A_113, %dma_start3A_114] : memref<16x4x32xi32, #tpu.memory_space<hbm>> -> memref<1x4x32xi32, #tpu.memory_space<hbm>>
        %dma_start3A_116 = tpu.memref_squeeze %dma_start3A_115 : memref<1x4x32xi32, #tpu.memory_space<hbm>> -> memref<4x32xi32, #tpu.memory_space<hbm>>
        tpu.enqueue_dma source(%dma_start3A_116 : memref<4x32xi32, #tpu.memory_space<hbm>>) target(%arg6 : memref<4x32xi32, #tpu.memory_space<vmem>>) target_semaphore(%run_scoped3A : memref<!tpu.dma_semaphore, #tpu.memory_space<semaphore_mem>>)
        %dma_wait3A_117 = arith.constant 0 : i32
        %dma_wait3A_118 = arith.constant 0 : i32
        %dma_wait3A_119 = tpu.memref_slice %arg3[%select_n3A_30, %dma_wait3A_117, %dma_wait3A_118] : memref<16x4x32xi32, #tpu.memory_space<hbm>> -> memref<1x4x32xi32, #tpu.memory_space<hbm>>
        %dma_wait3A_120 = tpu.memref_squeeze %dma_wait3A_119 : memref<1x4x32xi32, #tpu.memory_space<hbm>> -> memref<4x32xi32, #tpu.memory_space<hbm>>
        %dma_wait3A_121 = arith.constant 0 : i32
        %dma_wait3A_122 = arith.constant 0 : i32
        %dma_wait3A_123 = tpu.memref_slice %arg3[%select_n3A_30, %dma_wait3A_121, %dma_wait3A_122] : memref<16x4x32xi32, #tpu.memory_space<hbm>> -> memref<1x4x32xi32, #tpu.memory_space<hbm>>
        %dma_wait3A_124 = tpu.memref_squeeze %dma_wait3A_123 : memref<1x4x32xi32, #tpu.memory_space<hbm>> -> memref<4x32xi32, #tpu.memory_space<hbm>>
        tpu.wait_dma2 semaphore(%run_scoped3A : memref<!tpu.dma_semaphore, #tpu.memory_space<semaphore_mem>>) src(%dma_wait3A_124 : memref<4x32xi32, #tpu.memory_space<hbm>>) dst(%arg6 : memref<4x32xi32, #tpu.memory_space<vmem>>)
        tpu.yield
      }) : () -> ()
    } else {
    }
    %eq3A_34 = arith.constant 1 : i32
    %eq3A_35 = arith.cmpi eq, %select_n3A, %eq3A_34 : i32
    %convert_element_type3A_36 = arith.extui %eq3A_35 : i1 to i32
    %cond3A_37 = arith.constant 0 : i32
    %cond3A_38 = arith.cmpi ne, %convert_element_type3A_36, %cond3A_37 : i32
    scf.if %cond3A_38 {
      "tpu.region"() ({
        %run_scoped3A = tpu.sem_alloc : memref<!tpu.dma_semaphore, #tpu.memory_space<semaphore_mem>>
        %dma_start3A_109 = arith.constant 0 : i32
        %dma_start3A_110 = arith.constant 0 : i32
        %dma_start3A_111 = tpu.memref_slice %arg4[%select_n3A_30, %dma_start3A_109, %dma_start3A_110] : memref<16x4x32xi32, #tpu.memory_space<hbm>> -> memref<1x4x32xi32, #tpu.memory_space<hbm>>
        %dma_start3A_112 = tpu.memref_squeeze %dma_start3A_111 : memref<1x4x32xi32, #tpu.memory_space<hbm>> -> memref<4x32xi32, #tpu.memory_space<hbm>>
        %dma_start3A_113 = arith.constant 0 : i32
        %dma_start3A_114 = arith.constant 0 : i32
        %dma_start3A_115 = tpu.memref_slice %arg4[%select_n3A_30, %dma_start3A_113, %dma_start3A_114] : memref<16x4x32xi32, #tpu.memory_space<hbm>> -> memref<1x4x32xi32, #tpu.memory_space<hbm>>
        %dma_start3A_116 = tpu.memref_squeeze %dma_start3A_115 : memref<1x4x32xi32, #tpu.memory_space<hbm>> -> memref<4x32xi32, #tpu.memory_space<hbm>>
        tpu.enqueue_dma source(%dma_start3A_116 : memref<4x32xi32, #tpu.memory_space<hbm>>) target(%arg6 : memref<4x32xi32, #tpu.memory_space<vmem>>) target_semaphore(%run_scoped3A : memref<!tpu.dma_semaphore, #tpu.memory_space<semaphore_mem>>)
        %dma_wait3A_117 = arith.constant 0 : i32
        %dma_wait3A_118 = arith.constant 0 : i32
        %dma_wait3A_119 = tpu.memref_slice %arg4[%select_n3A_30, %dma_wait3A_117, %dma_wait3A_118] : memref<16x4x32xi32, #tpu.memory_space<hbm>> -> memref<1x4x32xi32, #tpu.memory_space<hbm>>
        %dma_wait3A_120 = tpu.memref_squeeze %dma_wait3A_119 : memref<1x4x32xi32, #tpu.memory_space<hbm>> -> memref<4x32xi32, #tpu.memory_space<hbm>>
        %dma_wait3A_121 = arith.constant 0 : i32
        %dma_wait3A_122 = arith.constant 0 : i32
        %dma_wait3A_123 = tpu.memref_slice %arg4[%select_n3A_30, %dma_wait3A_121, %dma_wait3A_122] : memref<16x4x32xi32, #tpu.memory_space<hbm>> -> memref<1x4x32xi32, #tpu.memory_space<hbm>>
        %dma_wait3A_124 = tpu.memref_squeeze %dma_wait3A_123 : memref<1x4x32xi32, #tpu.memory_space<hbm>> -> memref<4x32xi32, #tpu.memory_space<hbm>>
        tpu.wait_dma2 semaphore(%run_scoped3A : memref<!tpu.dma_semaphore, #tpu.memory_space<semaphore_mem>>) src(%dma_wait3A_124 : memref<4x32xi32, #tpu.memory_space<hbm>>) dst(%arg6 : memref<4x32xi32, #tpu.memory_space<vmem>>)
        tpu.yield
      }) : () -> ()
    } else {
    }
    %mul3A_39 = arith.constant 128 : i32
    %mul3A_40 = arith.muli %select_n3A_30, %mul3A_39 : i32
    %add3A_41 = arith.constant 0 : i32
    %add3A_42 = arith.addi %mul3A_40, %add3A_41 : i32
    "tpu.region"() ({
      %run_scoped3A = tpu.sem_alloc : memref<!tpu.dma_semaphore, #tpu.memory_space<semaphore_mem>>
      %dma_start3A_109 = arith.constant 0 : i32
      %dma_start3A_110 = tpu.memref_slice %arg2[%add3A_42, %dma_start3A_109] : memref<2048x1024xf32, #tpu.memory_space<hbm>> -> memref<32x1024xf32, #tpu.memory_space<hbm>>
      %dma_start3A_111 = arith.constant 0 : i32
      %dma_start3A_112 = tpu.memref_slice %arg2[%add3A_42, %dma_start3A_111] : memref<2048x1024xf32, #tpu.memory_space<hbm>> -> memref<32x1024xf32, #tpu.memory_space<hbm>>
      tpu.enqueue_dma source(%dma_start3A_112 : memref<32x1024xf32, #tpu.memory_space<hbm>>) target(%arg7 : memref<32x1024xf32, #tpu.memory_space<vmem>>) target_semaphore(%run_scoped3A : memref<!tpu.dma_semaphore, #tpu.memory_space<semaphore_mem>>)
      %dma_wait3A_113 = arith.constant 0 : i32
      %dma_wait3A_114 = tpu.memref_slice %arg2[%add3A_42, %dma_wait3A_113] : memref<2048x1024xf32, #tpu.memory_space<hbm>> -> memref<32x1024xf32, #tpu.memory_space<hbm>>
      %dma_wait3A_115 = arith.constant 0 : i32
      %dma_wait3A_116 = tpu.memref_slice %arg2[%add3A_42, %dma_wait3A_115] : memref<2048x1024xf32, #tpu.memory_space<hbm>> -> memref<32x1024xf32, #tpu.memory_space<hbm>>
      tpu.wait_dma2 semaphore(%run_scoped3A : memref<!tpu.dma_semaphore, #tpu.memory_space<semaphore_mem>>) src(%dma_wait3A_116 : memref<32x1024xf32, #tpu.memory_space<hbm>>) dst(%arg7 : memref<32x1024xf32, #tpu.memory_space<vmem>>)
      tpu.yield
    }) : () -> ()
    %dma_start3A = arith.constant 0 : i32
    %dma_start3A_43 = arith.constant 0 : i32
    %dma_start3A_44 = tpu.memref_slice %arg6[%dma_start3A, %dma_start3A_43] : memref<4x32xi32, #tpu.memory_space<vmem>> -> memref<1x32xi32, #tpu.memory_space<vmem>>
    %dma_start3A_45 = tpu.memref_squeeze %dma_start3A_44 : memref<1x32xi32, #tpu.memory_space<vmem>> -> memref<32xi32, #tpu.memory_space<vmem>>
    %dma_start3A_46 = arith.constant 0 : i32
    %dma_start3A_47 = arith.constant 0 : i32
    %dma_start3A_48 = tpu.memref_slice %arg5[%dma_start3A_46, %dma_start3A_47] : memref<6144x1024xf32, #tpu.memory_space<hbm>> -> memref<6144x1024xf32, #tpu.memory_space<hbm>>
    tpu.enqueue_indirect_dma source(%arg7 : memref<32x1024xf32, #tpu.memory_space<vmem>>) target(%dma_start3A_48 : memref<6144x1024xf32, #tpu.memory_space<hbm>>) offsets(%dma_start3A_45 : memref<32xi32, #tpu.memory_space<vmem>>) semaphore(%arg8 : memref<!tpu.dma_semaphore, #tpu.memory_space<semaphore_mem>>)
    %dma_wait3A = arith.constant 0 : i32
    %dma_wait3A_49 = arith.constant 0 : i32
    %dma_wait3A_50 = tpu.memref_slice %arg6[%dma_wait3A, %dma_wait3A_49] : memref<4x32xi32, #tpu.memory_space<vmem>> -> memref<1x32xi32, #tpu.memory_space<vmem>>
    %dma_wait3A_51 = tpu.memref_squeeze %dma_wait3A_50 : memref<1x32xi32, #tpu.memory_space<vmem>> -> memref<32xi32, #tpu.memory_space<vmem>>
    %dma_wait3A_52 = arith.constant 0 : i32
    %dma_wait3A_53 = arith.constant 0 : i32
    %dma_wait3A_54 = tpu.memref_slice %arg5[%dma_wait3A_52, %dma_wait3A_53] : memref<6144x1024xf32, #tpu.memory_space<hbm>> -> memref<6144x1024xf32, #tpu.memory_space<hbm>>
    tpu.wait_indirect_dma semaphore(%arg8 : memref<!tpu.dma_semaphore, #tpu.memory_space<semaphore_mem>>) src(%arg7 : memref<32x1024xf32, #tpu.memory_space<vmem>>) dst(%dma_wait3A_54 : memref<6144x1024xf32, #tpu.memory_space<hbm>>)
    %mul3A_55 = arith.constant 128 : i32
    %mul3A_56 = arith.muli %select_n3A_30, %mul3A_55 : i32
    %add3A_57 = arith.constant 32 : i32
    %add3A_58 = arith.addi %mul3A_56, %add3A_57 : i32
    "tpu.region"() ({
      %run_scoped3A = tpu.sem_alloc : memref<!tpu.dma_semaphore, #tpu.memory_space<semaphore_mem>>
      %dma_start3A_109 = arith.constant 0 : i32
      %dma_start3A_110 = tpu.memref_slice %arg2[%add3A_58, %dma_start3A_109] : memref<2048x1024xf32, #tpu.memory_space<hbm>> -> memref<32x1024xf32, #tpu.memory_space<hbm>>
      %dma_start3A_111 = arith.constant 0 : i32
      %dma_start3A_112 = tpu.memref_slice %arg2[%add3A_58, %dma_start3A_111] : memref<2048x1024xf32, #tpu.memory_space<hbm>> -> memref<32x1024xf32, #tpu.memory_space<hbm>>
      tpu.enqueue_dma source(%dma_start3A_112 : memref<32x1024xf32, #tpu.memory_space<hbm>>) target(%arg7 : memref<32x1024xf32, #tpu.memory_space<vmem>>) target_semaphore(%run_scoped3A : memref<!tpu.dma_semaphore, #tpu.memory_space<semaphore_mem>>)
      %dma_wait3A_113 = arith.constant 0 : i32
      %dma_wait3A_114 = tpu.memref_slice %arg2[%add3A_58, %dma_wait3A_113] : memref<2048x1024xf32, #tpu.memory_space<hbm>> -> memref<32x1024xf32, #tpu.memory_space<hbm>>
      %dma_wait3A_115 = arith.constant 0 : i32
      %dma_wait3A_116 = tpu.memref_slice %arg2[%add3A_58, %dma_wait3A_115] : memref<2048x1024xf32, #tpu.memory_space<hbm>> -> memref<32x1024xf32, #tpu.memory_space<hbm>>
      tpu.wait_dma2 semaphore(%run_scoped3A : memref<!tpu.dma_semaphore, #tpu.memory_space<semaphore_mem>>) src(%dma_wait3A_116 : memref<32x1024xf32, #tpu.memory_space<hbm>>) dst(%arg7 : memref<32x1024xf32, #tpu.memory_space<vmem>>)
      tpu.yield
    }) : () -> ()
    %dma_start3A_59 = arith.constant 1 : i32
    %dma_start3A_60 = arith.constant 0 : i32
    %dma_start3A_61 = tpu.memref_slice %arg6[%dma_start3A_59, %dma_start3A_60] : memref<4x32xi32, #tpu.memory_space<vmem>> -> memref<1x32xi32, #tpu.memory_space<vmem>>
    %dma_start3A_62 = tpu.memref_squeeze %dma_start3A_61 : memref<1x32xi32, #tpu.memory_space<vmem>> -> memref<32xi32, #tpu.memory_space<vmem>>
    %dma_start3A_63 = arith.constant 0 : i32
    %dma_start3A_64 = arith.constant 0 : i32
    %dma_start3A_65 = tpu.memref_slice %arg5[%dma_start3A_63, %dma_start3A_64] : memref<6144x1024xf32, #tpu.memory_space<hbm>> -> memref<6144x1024xf32, #tpu.memory_space<hbm>>
    tpu.enqueue_indirect_dma source(%arg7 : memref<32x1024xf32, #tpu.memory_space<vmem>>) target(%dma_start3A_65 : memref<6144x1024xf32, #tpu.memory_space<hbm>>) offsets(%dma_start3A_62 : memref<32xi32, #tpu.memory_space<vmem>>) semaphore(%arg8 : memref<!tpu.dma_semaphore, #tpu.memory_space<semaphore_mem>>)
    %dma_wait3A_66 = arith.constant 1 : i32
    %dma_wait3A_67 = arith.constant 0 : i32
    %dma_wait3A_68 = tpu.memref_slice %arg6[%dma_wait3A_66, %dma_wait3A_67] : memref<4x32xi32, #tpu.memory_space<vmem>> -> memref<1x32xi32, #tpu.memory_space<vmem>>
    %dma_wait3A_69 = tpu.memref_squeeze %dma_wait3A_68 : memref<1x32xi32, #tpu.memory_space<vmem>> -> memref<32xi32, #tpu.memory_space<vmem>>
    %dma_wait3A_70 = arith.constant 0 : i32
    %dma_wait3A_71 = arith.constant 0 : i32
    %dma_wait3A_72 = tpu.memref_slice %arg5[%dma_wait3A_70, %dma_wait3A_71] : memref<6144x1024xf32, #tpu.memory_space<hbm>> -> memref<6144x1024xf32, #tpu.memory_space<hbm>>
    tpu.wait_indirect_dma semaphore(%arg8 : memref<!tpu.dma_semaphore, #tpu.memory_space<semaphore_mem>>) src(%arg7 : memref<32x1024xf32, #tpu.memory_space<vmem>>) dst(%dma_wait3A_72 : memref<6144x1024xf32, #tpu.memory_space<hbm>>)
    %mul3A_73 = arith.constant 128 : i32
    %mul3A_74 = arith.muli %select_n3A_30, %mul3A_73 : i32
    %add3A_75 = arith.constant 64 : i32
    %add3A_76 = arith.addi %mul3A_74, %add3A_75 : i32
    "tpu.region"() ({
      %run_scoped3A = tpu.sem_alloc : memref<!tpu.dma_semaphore, #tpu.memory_space<semaphore_mem>>
      %dma_start3A_109 = arith.constant 0 : i32
      %dma_start3A_110 = tpu.memref_slice %arg2[%add3A_76, %dma_start3A_109] : memref<2048x1024xf32, #tpu.memory_space<hbm>> -> memref<32x1024xf32, #tpu.memory_space<hbm>>
      %dma_start3A_111 = arith.constant 0 : i32
      %dma_start3A_112 = tpu.memref_slice %arg2[%add3A_76, %dma_start3A_111] : memref<2048x1024xf32, #tpu.memory_space<hbm>> -> memref<32x1024xf32, #tpu.memory_space<hbm>>
      tpu.enqueue_dma source(%dma_start3A_112 : memref<32x1024xf32, #tpu.memory_space<hbm>>) target(%arg7 : memref<32x1024xf32, #tpu.memory_space<vmem>>) target_semaphore(%run_scoped3A : memref<!tpu.dma_semaphore, #tpu.memory_space<semaphore_mem>>)
      %dma_wait3A_113 = arith.constant 0 : i32
      %dma_wait3A_114 = tpu.memref_slice %arg2[%add3A_76, %dma_wait3A_113] : memref<2048x1024xf32, #tpu.memory_space<hbm>> -> memref<32x1024xf32, #tpu.memory_space<hbm>>
      %dma_wait3A_115 = arith.constant 0 : i32
      %dma_wait3A_116 = tpu.memref_slice %arg2[%add3A_76, %dma_wait3A_115] : memref<2048x1024xf32, #tpu.memory_space<hbm>> -> memref<32x1024xf32, #tpu.memory_space<hbm>>
      tpu.wait_dma2 semaphore(%run_scoped3A : memref<!tpu.dma_semaphore, #tpu.memory_space<semaphore_mem>>) src(%dma_wait3A_116 : memref<32x1024xf32, #tpu.memory_space<hbm>>) dst(%arg7 : memref<32x1024xf32, #tpu.memory_space<vmem>>)
      tpu.yield
    }) : () -> ()
    %dma_start3A_77 = arith.constant 2 : i32
    %dma_start3A_78 = arith.constant 0 : i32
    %dma_start3A_79 = tpu.memref_slice %arg6[%dma_start3A_77, %dma_start3A_78] : memref<4x32xi32, #tpu.memory_space<vmem>> -> memref<1x32xi32, #tpu.memory_space<vmem>>
    %dma_start3A_80 = tpu.memref_squeeze %dma_start3A_79 : memref<1x32xi32, #tpu.memory_space<vmem>> -> memref<32xi32, #tpu.memory_space<vmem>>
    %dma_start3A_81 = arith.constant 0 : i32
    %dma_start3A_82 = arith.constant 0 : i32
    %dma_start3A_83 = tpu.memref_slice %arg5[%dma_start3A_81, %dma_start3A_82] : memref<6144x1024xf32, #tpu.memory_space<hbm>> -> memref<6144x1024xf32, #tpu.memory_space<hbm>>
    tpu.enqueue_indirect_dma source(%arg7 : memref<32x1024xf32, #tpu.memory_space<vmem>>) target(%dma_start3A_83 : memref<6144x1024xf32, #tpu.memory_space<hbm>>) offsets(%dma_start3A_80 : memref<32xi32, #tpu.memory_space<vmem>>) semaphore(%arg8 : memref<!tpu.dma_semaphore, #tpu.memory_space<semaphore_mem>>)
    %dma_wait3A_84 = arith.constant 2 : i32
    %dma_wait3A_85 = arith.constant 0 : i32
    %dma_wait3A_86 = tpu.memref_slice %arg6[%dma_wait3A_84, %dma_wait3A_85] : memref<4x32xi32, #tpu.memory_space<vmem>> -> memref<1x32xi32, #tpu.memory_space<vmem>>
    %dma_wait3A_87 = tpu.memref_squeeze %dma_wait3A_86 : memref<1x32xi32, #tpu.memory_space<vmem>> -> memref<32xi32, #tpu.memory_space<vmem>>
    %dma_wait3A_88 = arith.constant 0 : i32
    %dma_wait3A_89 = arith.constant 0 : i32
    %dma_wait3A_90 = tpu.memref_slice %arg5[%dma_wait3A_88, %dma_wait3A_89] : memref<6144x1024xf32, #tpu.memory_space<hbm>> -> memref<6144x1024xf32, #tpu.memory_space<hbm>>
    tpu.wait_indirect_dma semaphore(%arg8 : memref<!tpu.dma_semaphore, #tpu.memory_space<semaphore_mem>>) src(%arg7 : memref<32x1024xf32, #tpu.memory_space<vmem>>) dst(%dma_wait3A_90 : memref<6144x1024xf32, #tpu.memory_space<hbm>>)
    %mul3A_91 = arith.constant 128 : i32
    %mul3A_92 = arith.muli %select_n3A_30, %mul3A_91 : i32
    %add3A_93 = arith.constant 96 : i32
    %add3A_94 = arith.addi %mul3A_92, %add3A_93 : i32
    "tpu.region"() ({
      %run_scoped3A = tpu.sem_alloc : memref<!tpu.dma_semaphore, #tpu.memory_space<semaphore_mem>>
      %dma_start3A_109 = arith.constant 0 : i32
      %dma_start3A_110 = tpu.memref_slice %arg2[%add3A_94, %dma_start3A_109] : memref<2048x1024xf32, #tpu.memory_space<hbm>> -> memref<32x1024xf32, #tpu.memory_space<hbm>>
      %dma_start3A_111 = arith.constant 0 : i32
      %dma_start3A_112 = tpu.memref_slice %arg2[%add3A_94, %dma_start3A_111] : memref<2048x1024xf32, #tpu.memory_space<hbm>> -> memref<32x1024xf32, #tpu.memory_space<hbm>>
      tpu.enqueue_dma source(%dma_start3A_112 : memref<32x1024xf32, #tpu.memory_space<hbm>>) target(%arg7 : memref<32x1024xf32, #tpu.memory_space<vmem>>) target_semaphore(%run_scoped3A : memref<!tpu.dma_semaphore, #tpu.memory_space<semaphore_mem>>)
      %dma_wait3A_113 = arith.constant 0 : i32
      %dma_wait3A_114 = tpu.memref_slice %arg2[%add3A_94, %dma_wait3A_113] : memref<2048x1024xf32, #tpu.memory_space<hbm>> -> memref<32x1024xf32, #tpu.memory_space<hbm>>
      %dma_wait3A_115 = arith.constant 0 : i32
      %dma_wait3A_116 = tpu.memref_slice %arg2[%add3A_94, %dma_wait3A_115] : memref<2048x1024xf32, #tpu.memory_space<hbm>> -> memref<32x1024xf32, #tpu.memory_space<hbm>>
      tpu.wait_dma2 semaphore(%run_scoped3A : memref<!tpu.dma_semaphore, #tpu.memory_space<semaphore_mem>>) src(%dma_wait3A_116 : memref<32x1024xf32, #tpu.memory_space<hbm>>) dst(%arg7 : memref<32x1024xf32, #tpu.memory_space<vmem>>)
      tpu.yield
    }) : () -> ()
    %dma_start3A_95 = arith.constant 3 : i32
    %dma_start3A_96 = arith.constant 0 : i32
    %dma_start3A_97 = tpu.memref_slice %arg6[%dma_start3A_95, %dma_start3A_96] : memref<4x32xi32, #tpu.memory_space<vmem>> -> memref<1x32xi32, #tpu.memory_space<vmem>>
    %dma_start3A_98 = tpu.memref_squeeze %dma_start3A_97 : memref<1x32xi32, #tpu.memory_space<vmem>> -> memref<32xi32, #tpu.memory_space<vmem>>
    %dma_start3A_99 = arith.constant 0 : i32
    %dma_start3A_100 = arith.constant 0 : i32
    %dma_start3A_101 = tpu.memref_slice %arg5[%dma_start3A_99, %dma_start3A_100] : memref<6144x1024xf32, #tpu.memory_space<hbm>> -> memref<6144x1024xf32, #tpu.memory_space<hbm>>
    tpu.enqueue_indirect_dma source(%arg7 : memref<32x1024xf32, #tpu.memory_space<vmem>>) target(%dma_start3A_101 : memref<6144x1024xf32, #tpu.memory_space<hbm>>) offsets(%dma_start3A_98 : memref<32xi32, #tpu.memory_space<vmem>>) semaphore(%arg8 : memref<!tpu.dma_semaphore, #tpu.memory_space<semaphore_mem>>)
    %dma_wait3A_102 = arith.constant 3 : i32
    %dma_wait3A_103 = arith.constant 0 : i32
    %dma_wait3A_104 = tpu.memref_slice %arg6[%dma_wait3A_102, %dma_wait3A_103] : memref<4x32xi32, #tpu.memory_space<vmem>> -> memref<1x32xi32, #tpu.memory_space<vmem>>
    %dma_wait3A_105 = tpu.memref_squeeze %dma_wait3A_104 : memref<1x32xi32, #tpu.memory_space<vmem>> -> memref<32xi32, #tpu.memory_space<vmem>>
    %dma_wait3A_106 = arith.constant 0 : i32
    %dma_wait3A_107 = arith.constant 0 : i32
    %dma_wait3A_108 = tpu.memref_slice %arg5[%dma_wait3A_106, %dma_wait3A_107] : memref<6144x1024xf32, #tpu.memory_space<hbm>> -> memref<6144x1024xf32, #tpu.memory_space<hbm>>
    tpu.wait_indirect_dma semaphore(%arg8 : memref<!tpu.dma_semaphore, #tpu.memory_space<semaphore_mem>>) src(%arg7 : memref<32x1024xf32, #tpu.memory_space<vmem>>) dst(%dma_wait3A_108 : memref<6144x1024xf32, #tpu.memory_space<hbm>>)
    return
  }
}

module attributes {stable_mosaic.version = 14 : i64} {
  func.func @_router_kernel(%arg0: memref<2048x1024xf32, #tpu.memory_space<vmem>>, %arg1: memref<8x1024xf32, #tpu.memory_space<vmem>>, %arg2: memref<2048x2xf32, #tpu.memory_space<vmem>>, %arg3: memref<2048x1xi32, #tpu.memory_space<vmem>>, %arg4: memref<2048x1xi32, #tpu.memory_space<vmem>>, %arg5: memref<1x24xi32, #tpu.memory_space<vmem>>, %arg6: memref<1x24xi32, #tpu.memory_space<vmem>>, %arg7: memref<1x24xi32, #tpu.memory_space<vmem>>, %arg8: memref<1x24xi32, #tpu.memory_space<vmem>>) attributes {dimension_semantics = [], scalar_prefetch = 0 : i64, scratch_operands = 0 : i64, tpu.core_type = #tpu.core_type<tc>} {
    %get3A = arith.constant 0 : index
    %get3A_0 = arith.constant 0 : index
    %get3A_1 = vector.load %arg0[%get3A, %get3A_0] : memref<2048x1024xf32, #tpu.memory_space<vmem>>, vector<2048x1024xf32>
    %convert_element_type3A = arith.truncf %get3A_1 : vector<2048x1024xf32> to vector<2048x1024xbf16>
    %get3A_2 = arith.constant 0 : index
    %get3A_3 = arith.constant 0 : index
    %get3A_4 = vector.load %arg1[%get3A_2, %get3A_3] : memref<8x1024xf32, #tpu.memory_space<vmem>>, vector<8x1024xf32>
    %convert_element_type3A_5 = arith.truncf %get3A_4 : vector<8x1024xf32> to vector<8x1024xbf16>
    %dot_general3A = arith.constant dense<0.000000e+00> : vector<2048x8xf32>
    %dot_general3A_6 = tpu.matmul %convert_element_type3A, %convert_element_type3A_5, %dot_general3A {dimension_numbers = #tpu.dot_dimension_numbers<[1], [1], [0], [0], [0, 0, 1, 0], [], []>, transpose_lhs_hint = false} : vector<2048x1024xbf16>, vector<8x1024xbf16>, vector<2048x8xf32> -> vector<2048x8xf32>
    %logistic3A = arith.negf %dot_general3A_6 : vector<2048x8xf32>
    %logistic3A_7 = math.exp %logistic3A : vector<2048x8xf32>
    %logistic3A_8 = arith.constant 1.000000e+00 : f32
    %logistic3A_9 = vector.broadcast %logistic3A_8 : f32 to vector<2048x8xf32>
    %logistic3A_10 = arith.addf %logistic3A_9, %logistic3A_7 : vector<2048x8xf32>
    %logistic3A_11 = arith.divf %logistic3A_9, %logistic3A_10 : vector<2048x8xf32>
    %iota3A = tpu.iota {dimensions = array<i32: 1>} : vector<2048x8xi32>
    %reduce_max3A = arith.constant dense<0xFF800000> : vector<2048xf32>
    %reduce_max3A_12 = vector.multi_reduction <maximumf>, %logistic3A_11, %reduce_max3A [1] : vector<2048x8xf32> to vector<2048xf32>
    %broadcast_in_dim3A = vector.shape_cast %reduce_max3A_12 : vector<2048xf32> to vector<2048x1xf32>
    %ge3A = vector.broadcast %broadcast_in_dim3A : vector<2048x1xf32> to vector<2048x8xf32>
    %ge3A_13 = arith.cmpf oge, %logistic3A_11, %ge3A : vector<2048x8xf32>
    %jit3A = arith.constant 8 : i32
    %broadcast_in_dim3A_14 = vector.broadcast %jit3A : i32 to vector<2048x8xi32>
    %select_n3A = arith.select %ge3A_13, %iota3A, %broadcast_in_dim3A_14 : vector<2048x8xi1>, vector<2048x8xi32>
    %reduce_min3A = arith.constant dense<2147483647> : vector<2048xi32>
    %reduce_min3A_15 = vector.multi_reduction <minsi>, %select_n3A, %reduce_min3A [1] : vector<2048x8xi32> to vector<2048xi32>
    %broadcast_in_dim3A_16 = vector.shape_cast %reduce_min3A_15 : vector<2048xi32> to vector<2048x1xi32>
    %eq3A = vector.broadcast %broadcast_in_dim3A_16 : vector<2048x1xi32> to vector<2048x8xi32>
    %eq3A_17 = arith.cmpi eq, %iota3A, %eq3A : vector<2048x8xi32>
    %jit3A_18 = arith.constant -1.000000e+00 : f32
    %broadcast_in_dim3A_19 = vector.broadcast %jit3A_18 : f32 to vector<2048x8xf32>
    %select_n3A_20 = arith.select %eq3A_17, %broadcast_in_dim3A_19, %logistic3A_11 : vector<2048x8xi1>, vector<2048x8xf32>
    %reduce_max3A_21 = arith.constant dense<0xFF800000> : vector<2048xf32>
    %reduce_max3A_22 = vector.multi_reduction <maximumf>, %select_n3A_20, %reduce_max3A_21 [1] : vector<2048x8xf32> to vector<2048xf32>
    %broadcast_in_dim3A_23 = vector.shape_cast %reduce_max3A_22 : vector<2048xf32> to vector<2048x1xf32>
    %ge3A_24 = vector.broadcast %broadcast_in_dim3A_23 : vector<2048x1xf32> to vector<2048x8xf32>
    %ge3A_25 = arith.cmpf oge, %select_n3A_20, %ge3A_24 : vector<2048x8xf32>
    %jit3A_26 = arith.constant 8 : i32
    %broadcast_in_dim3A_27 = vector.broadcast %jit3A_26 : i32 to vector<2048x8xi32>
    %select_n3A_28 = arith.select %ge3A_25, %iota3A, %broadcast_in_dim3A_27 : vector<2048x8xi1>, vector<2048x8xi32>
    %reduce_min3A_29 = arith.constant dense<2147483647> : vector<2048xi32>
    %reduce_min3A_30 = vector.multi_reduction <minsi>, %select_n3A_28, %reduce_min3A_29 [1] : vector<2048x8xi32> to vector<2048xi32>
    %broadcast_in_dim3A_31 = vector.shape_cast %reduce_min3A_30 : vector<2048xi32> to vector<2048x1xi32>
    %eq3A_32 = vector.broadcast %broadcast_in_dim3A_31 : vector<2048x1xi32> to vector<2048x8xi32>
    %eq3A_33 = arith.cmpi eq, %iota3A, %eq3A_32 : vector<2048x8xi32>
    %add3A = arith.addf %broadcast_in_dim3A, %broadcast_in_dim3A_23 : vector<2048x1xf32>
    %add3A_34 = arith.constant 9.99999968E-21 : f32
    %add3A_35 = vector.broadcast %add3A_34 : f32 to vector<2048x1xf32>
    %add3A_36 = arith.addf %add3A, %add3A_35 : vector<2048x1xf32>
    %div3A = arith.divf %broadcast_in_dim3A, %add3A_36 : vector<2048x1xf32>
    %div3A_37 = arith.divf %broadcast_in_dim3A_23, %add3A_36 : vector<2048x1xf32>
    %concatenate3A = tpu.concatenate %div3A, %div3A_37 in 1 : vector<2048x1xf32>, vector<2048x1xf32> -> vector<2048x2xf32>
    %swap3A = arith.constant 0 : index
    %swap3A_38 = arith.constant 0 : index
    %swap3A_39 = vector.load %arg2[%swap3A, %swap3A_38] : memref<2048x2xf32, #tpu.memory_space<vmem>>, vector<2048x2xf32>
    tpu.vector_store %arg2[%swap3A, %swap3A_38], %concatenate3A {strides = array<i32>} : memref<2048x2xf32, #tpu.memory_space<vmem>>, vector<2048x2xf32>,
    %or3A = arith.ori %eq3A_17, %eq3A_33 : vector<2048x8xi1>
    %convert_element_type3A_40 = arith.extui %or3A : vector<2048x8xi1> to vector<2048x8xi32>
    %convert_element_type3A_41 = arith.sitofp %convert_element_type3A_40 : vector<2048x8xi32> to vector<2048x8xf32>
    %convert_element_type3A_42 = arith.truncf %convert_element_type3A_41 : vector<2048x8xf32> to vector<2048x8xbf16>
    %iota3A_43 = tpu.iota {dimensions = array<i32: 0>} : vector<2048x2048xi32>
    %iota3A_44 = tpu.iota {dimensions = array<i32: 1>} : vector<2048x2048xi32>
    %lt3A = arith.cmpi slt, %iota3A_44, %iota3A_43 : vector<2048x2048xi32>
    %convert_element_type3A_45 = arith.extui %lt3A : vector<2048x2048xi1> to vector<2048x2048xi32>
    %convert_element_type3A_46 = arith.sitofp %convert_element_type3A_45 : vector<2048x2048xi32> to vector<2048x2048xf32>
    %convert_element_type3A_47 = arith.truncf %convert_element_type3A_46 : vector<2048x2048xf32> to vector<2048x2048xbf16>
    %dot_general3A_48 = arith.constant dense<0.000000e+00> : vector<2048x8xf32>
    %dot_general3A_49 = tpu.matmul %convert_element_type3A_47, %convert_element_type3A_42, %dot_general3A_48 {dimension_numbers = #tpu.dot_dimension_numbers<[1], [0], [0], [1], [0, 0, 1, 1], [], []>, transpose_lhs_hint = false} : vector<2048x2048xbf16>, vector<2048x8xbf16>, vector<2048x8xf32> -> vector<2048x8xf32>
    %convert_element_type3A_50 = arith.extf %convert_element_type3A_42 : vector<2048x8xbf16> to vector<2048x8xf32>
    %reduce_sum3A = arith.constant dense<0.000000e+00> : vector<8xf32>
    %reduce_sum3A_51 = vector.multi_reduction <add>, %convert_element_type3A_50, %reduce_sum3A [0] : vector<2048x8xf32> to vector<8xf32>
    %broadcast_in_dim3A_52 = vector.shape_cast %reduce_sum3A_51 : vector<8xf32> to vector<1x8xf32>
    %mul3A = arith.constant 3.906250e-03 : f32
    %mul3A_53 = vector.broadcast %mul3A : f32 to vector<1x8xf32>
    %mul3A_54 = arith.mulf %broadcast_in_dim3A_52, %mul3A_53 : vector<1x8xf32>
    %ceil3A = math.ceil %mul3A_54 : vector<1x8xf32>
    %iota3A_55 = tpu.iota {dimensions = array<i32: 0>} : vector<8x8xi32>
    %iota3A_56 = tpu.iota {dimensions = array<i32: 1>} : vector<8x8xi32>
    %lt3A_57 = arith.cmpi slt, %iota3A_55, %iota3A_56 : vector<8x8xi32>
    %convert_element_type3A_58 = arith.extui %lt3A_57 : vector<8x8xi1> to vector<8x8xi32>
    %convert_element_type3A_59 = arith.sitofp %convert_element_type3A_58 : vector<8x8xi32> to vector<8x8xf32>
    %dot_general3A_60 = arith.constant dense<0.000000e+00> : vector<1x8xf32>
    %dot_general3A_61 = tpu.matmul %ceil3A, %convert_element_type3A_59, %dot_general3A_60 {dimension_numbers = #tpu.dot_dimension_numbers<[1], [0], [0], [1], [0, 0, 1, 1], [], []>, transpose_lhs_hint = false} : vector<1x8xf32>, vector<8x8xf32>, vector<1x8xf32> -> vector<1x8xf32>
    %mul3A_62 = arith.constant 2.560000e+02 : f32
    %mul3A_63 = vector.broadcast %mul3A_62 : f32 to vector<1x8xf32>
    %mul3A_64 = arith.mulf %dot_general3A_61, %mul3A_63 : vector<1x8xf32>
    %add3A_65 = vector.broadcast %mul3A_64 : vector<1x8xf32> to vector<2048x8xf32>
    %add3A_66 = arith.addf %dot_general3A_49, %add3A_65 : vector<2048x8xf32>
    %jit3A_67 = arith.constant 0.000000e+00 : f32
    %broadcast_in_dim3A_68 = vector.broadcast %jit3A_67 : f32 to vector<2048x8xf32>
    %select_n3A_69 = arith.select %eq3A_17, %add3A_66, %broadcast_in_dim3A_68 : vector<2048x8xi1>, vector<2048x8xf32>
    %reduce_sum3A_70 = arith.constant dense<0.000000e+00> : vector<2048xf32>
    %reduce_sum3A_71 = vector.multi_reduction <add>, %select_n3A_69, %reduce_sum3A_70 [1] : vector<2048x8xf32> to vector<2048xf32>
    %broadcast_in_dim3A_72 = vector.shape_cast %reduce_sum3A_71 : vector<2048xf32> to vector<2048x1xf32>
    %jit3A_73 = arith.constant 0.000000e+00 : f32
    %broadcast_in_dim3A_74 = vector.broadcast %jit3A_73 : f32 to vector<2048x8xf32>
    %select_n3A_75 = arith.select %eq3A_33, %add3A_66, %broadcast_in_dim3A_74 : vector<2048x8xi1>, vector<2048x8xf32>
    %reduce_sum3A_76 = arith.constant dense<0.000000e+00> : vector<2048xf32>
    %reduce_sum3A_77 = vector.multi_reduction <add>, %select_n3A_75, %reduce_sum3A_76 [1] : vector<2048x8xf32> to vector<2048xf32>
    %broadcast_in_dim3A_78 = vector.shape_cast %reduce_sum3A_77 : vector<2048xf32> to vector<2048x1xf32>
    %convert_element_type3A_79 = arith.fptosi %broadcast_in_dim3A_72 : vector<2048x1xf32> to vector<2048x1xi32>
    %swap3A_80 = arith.constant 0 : index
    %swap3A_81 = arith.constant 0 : index
    %swap3A_82 = vector.load %arg3[%swap3A_80, %swap3A_81] : memref<2048x1xi32, #tpu.memory_space<vmem>>, vector<2048x1xi32>
    tpu.vector_store %arg3[%swap3A_80, %swap3A_81], %convert_element_type3A_79 {strides = array<i32>} : memref<2048x1xi32, #tpu.memory_space<vmem>>, vector<2048x1xi32>,
    %convert_element_type3A_83 = arith.fptosi %broadcast_in_dim3A_78 : vector<2048x1xf32> to vector<2048x1xi32>
    %swap3A_84 = arith.constant 0 : index
    %swap3A_85 = arith.constant 0 : index
    %swap3A_86 = vector.load %arg4[%swap3A_84, %swap3A_85] : memref<2048x1xi32, #tpu.memory_space<vmem>>, vector<2048x1xi32>
    tpu.vector_store %arg4[%swap3A_84, %swap3A_85], %convert_element_type3A_83 {strides = array<i32>} : memref<2048x1xi32, #tpu.memory_space<vmem>>, vector<2048x1xi32>,
    %broadcast_in_dim3A_87 = arith.constant 1.000000e+00 : f32
    %broadcast_in_dim3A_88 = vector.broadcast %broadcast_in_dim3A_87 : f32 to vector<2048x1xf32>
    %dot_general3A_89 = arith.constant dense<0.000000e+00> : vector<8x1xf32>
    %dot_general3A_90 = tpu.matmul %convert_element_type3A_50, %broadcast_in_dim3A_88, %dot_general3A_89 {dimension_numbers = #tpu.dot_dimension_numbers<[0], [0], [1], [1], [0, 1, 1, 1], [], []>, transpose_lhs_hint = false} : vector<2048x8xf32>, vector<2048x1xf32>, vector<8x1xf32> -> vector<8x1xf32>
    %mul3A_91 = arith.constant 3.906250e-03 : f32
    %mul3A_92 = vector.broadcast %mul3A_91 : f32 to vector<8x1xf32>
    %mul3A_93 = arith.mulf %dot_general3A_90, %mul3A_92 : vector<8x1xf32>
    %ceil3A_94 = math.ceil %mul3A_93 : vector<8x1xf32>
    %lt3A_95 = arith.cmpi slt, %iota3A_56, %iota3A_55 : vector<8x8xi32>
    %convert_element_type3A_96 = arith.extui %lt3A_95 : vector<8x8xi1> to vector<8x8xi32>
    %convert_element_type3A_97 = arith.sitofp %convert_element_type3A_96 : vector<8x8xi32> to vector<8x8xf32>
    %dot_general3A_98 = arith.constant dense<0.000000e+00> : vector<8x1xf32>
    %dot_general3A_99 = tpu.matmul %convert_element_type3A_97, %ceil3A_94, %dot_general3A_98 {dimension_numbers = #tpu.dot_dimension_numbers<[1], [0], [0], [1], [0, 0, 1, 1], [], []>, transpose_lhs_hint = false} : vector<8x8xf32>, vector<8x1xf32>, vector<8x1xf32> -> vector<8x1xf32>
    %iota3A_100 = tpu.iota {dimensions = array<i32: 1>} : vector<8x24xi32>
    %convert_element_type3A_101 = arith.sitofp %iota3A_100 : vector<8x24xi32> to vector<8x24xf32>
    %iota3A_102 = tpu.iota {dimensions = array<i32: 0>} : vector<8x24xi32>
    %ge3A_103 = vector.broadcast %dot_general3A_99 : vector<8x1xf32> to vector<8x24xf32>
    %ge3A_104 = arith.cmpf oge, %convert_element_type3A_101, %ge3A_103 : vector<8x24xf32>
    %ge3A_105 = arith.constant 1 : i32
    %ge3A_106 = vector.broadcast %ge3A_105 : i32 to vector<8x24xi32>
    %ge3A_107 = arith.cmpi sge, %iota3A_102, %ge3A_106 : vector<8x24xi32>
    %and3A = arith.andi %ge3A_104, %ge3A_107 : vector<8x24xi1>
    %convert_element_type3A_108 = arith.extui %and3A : vector<8x24xi1> to vector<8x24xi32>
    %convert_element_type3A_109 = arith.sitofp %convert_element_type3A_108 : vector<8x24xi32> to vector<8x24xf32>
    %broadcast_in_dim3A_110 = arith.constant 1.000000e+00 : f32
    %broadcast_in_dim3A_111 = vector.broadcast %broadcast_in_dim3A_110 : f32 to vector<1x8xf32>
    %dot_general3A_112 = arith.constant dense<0.000000e+00> : vector<1x24xf32>
    %dot_general3A_113 = tpu.matmul %broadcast_in_dim3A_111, %convert_element_type3A_109, %dot_general3A_112 {dimension_numbers = #tpu.dot_dimension_numbers<[1], [0], [0], [1], [0, 0, 1, 1], [], []>, transpose_lhs_hint = false} : vector<1x8xf32>, vector<8x24xf32>, vector<1x24xf32> -> vector<1x24xf32>
    %convert_element_type3A_114 = arith.fptosi %dot_general3A_113 : vector<1x24xf32> to vector<1x24xi32>
    %swap3A_115 = arith.constant 0 : index
    %swap3A_116 = arith.constant 0 : index
    %swap3A_117 = vector.load %arg5[%swap3A_115, %swap3A_116] : memref<1x24xi32, #tpu.memory_space<vmem>>, vector<1x24xi32>
    tpu.vector_store %arg5[%swap3A_115, %swap3A_116], %convert_element_type3A_114 {strides = array<i32>} : memref<1x24xi32, #tpu.memory_space<vmem>>, vector<1x24xi32>,
    %broadcast_in_dim3A_118 = arith.constant 0.000000e+00 : f32
    %broadcast_in_dim3A_119 = vector.broadcast %broadcast_in_dim3A_118 : f32 to vector<1x1xf32>
    %slice3A = vector.extract_strided_slice %dot_general3A_113 {offsets = [0, 1], sizes = [1, 23], strides = [1, 1]} : vector<1x24xf32> to vector<1x23xf32>
    %slice3A_120 = vector.extract_strided_slice %dot_general3A_113 {offsets = [0, 0], sizes = [1, 23], strides = [1, 1]} : vector<1x24xf32> to vector<1x23xf32>
    %ne3A = arith.cmpf one, %slice3A, %slice3A_120 : vector<1x23xf32>
    %convert_element_type3A_121 = arith.extui %ne3A : vector<1x23xi1> to vector<1x23xi32>
    %convert_element_type3A_122 = arith.sitofp %convert_element_type3A_121 : vector<1x23xi32> to vector<1x23xf32>
    %concatenate3A_123 = tpu.concatenate %broadcast_in_dim3A_119, %convert_element_type3A_122 in 1 : vector<1x1xf32>, vector<1x23xf32> -> vector<1x24xf32>
    %iota3A_124 = tpu.iota {dimensions = array<i32: 0>} : vector<24x24xi32>
    %iota3A_125 = tpu.iota {dimensions = array<i32: 1>} : vector<24x24xi32>
    %le3A = arith.cmpi sle, %iota3A_124, %iota3A_125 : vector<24x24xi32>
    %convert_element_type3A_126 = arith.extui %le3A : vector<24x24xi1> to vector<24x24xi32>
    %convert_element_type3A_127 = arith.sitofp %convert_element_type3A_126 : vector<24x24xi32> to vector<24x24xf32>
    %dot_general3A_128 = arith.constant dense<0.000000e+00> : vector<1x24xf32>
    %dot_general3A_129 = tpu.matmul %concatenate3A_123, %convert_element_type3A_127, %dot_general3A_128 {dimension_numbers = #tpu.dot_dimension_numbers<[1], [0], [0], [1], [0, 0, 1, 1], [], []>, transpose_lhs_hint = false} : vector<1x24xf32>, vector<24x24xf32>, vector<1x24xf32> -> vector<1x24xf32>
    %mul3A_130 = arith.constant 5.000000e-01 : f32
    %mul3A_131 = vector.broadcast %mul3A_130 : f32 to vector<1x24xf32>
    %mul3A_132 = arith.mulf %dot_general3A_129, %mul3A_131 : vector<1x24xf32>
    %floor3A = math.floor %mul3A_132 : vector<1x24xf32>
    %mul3A_133 = arith.constant 2.000000e+00 : f32
    %mul3A_134 = vector.broadcast %mul3A_133 : f32 to vector<1x24xf32>
    %mul3A_135 = arith.mulf %mul3A_134, %floor3A : vector<1x24xf32>
    %sub3A = arith.subf %dot_general3A_129, %mul3A_135 : vector<1x24xf32>
    %convert_element_type3A_136 = arith.fptosi %concatenate3A_123 : vector<1x24xf32> to vector<1x24xi32>
    %swap3A_137 = arith.constant 0 : index
    %swap3A_138 = arith.constant 0 : index
    %swap3A_139 = vector.load %arg6[%swap3A_137, %swap3A_138] : memref<1x24xi32, #tpu.memory_space<vmem>>, vector<1x24xi32>
    tpu.vector_store %arg6[%swap3A_137, %swap3A_138], %convert_element_type3A_136 {strides = array<i32>} : memref<1x24xi32, #tpu.memory_space<vmem>>, vector<1x24xi32>,
    %convert_element_type3A_140 = arith.fptosi %sub3A : vector<1x24xf32> to vector<1x24xi32>
    %swap3A_141 = arith.constant 0 : index
    %swap3A_142 = arith.constant 0 : index
    %swap3A_143 = vector.load %arg7[%swap3A_141, %swap3A_142] : memref<1x24xi32, #tpu.memory_space<vmem>>, vector<1x24xi32>
    tpu.vector_store %arg7[%swap3A_141, %swap3A_142], %convert_element_type3A_140 {strides = array<i32>} : memref<1x24xi32, #tpu.memory_space<vmem>>, vector<1x24xi32>,
    %broadcast_in_dim3A_144 = arith.constant 1.000000e+00 : f32
    %broadcast_in_dim3A_145 = vector.broadcast %broadcast_in_dim3A_144 : f32 to vector<8x1xf32>
    %dot_general3A_146 = arith.constant dense<0.000000e+00> : vector<24x1xf32>
    %dot_general3A_147 = tpu.matmul %convert_element_type3A_109, %broadcast_in_dim3A_145, %dot_general3A_146 {dimension_numbers = #tpu.dot_dimension_numbers<[0], [0], [1], [1], [0, 1, 1, 1], [], []>, transpose_lhs_hint = false} : vector<8x24xf32>, vector<8x1xf32>, vector<24x1xf32> -> vector<24x1xf32>
    %broadcast_in_dim3A_148 = arith.constant 0.000000e+00 : f32
    %broadcast_in_dim3A_149 = vector.broadcast %broadcast_in_dim3A_148 : f32 to vector<1x1xf32>
    %slice3A_150 = vector.extract_strided_slice %dot_general3A_147 {offsets = [1, 0], sizes = [23, 1], strides = [1, 1]} : vector<24x1xf32> to vector<23x1xf32>
    %slice3A_151 = vector.extract_strided_slice %dot_general3A_147 {offsets = [0, 0], sizes = [23, 1], strides = [1, 1]} : vector<24x1xf32> to vector<23x1xf32>
    %ne3A_152 = arith.cmpf one, %slice3A_150, %slice3A_151 : vector<23x1xf32>
    %convert_element_type3A_153 = arith.extui %ne3A_152 : vector<23x1xi1> to vector<23x1xi32>
    %convert_element_type3A_154 = arith.sitofp %convert_element_type3A_153 : vector<23x1xi32> to vector<23x1xf32>
    %concatenate3A_155 = tpu.concatenate %broadcast_in_dim3A_149, %convert_element_type3A_154 in 0 : vector<1x1xf32>, vector<23x1xf32> -> vector<24x1xf32>
    %gt3A = arith.cmpi sgt, %iota3A_124, %iota3A_125 : vector<24x24xi32>
    %gt3A_156 = arith.constant 5.000000e-01 : f32
    %gt3A_157 = vector.broadcast %gt3A_156 : f32 to vector<24x1xf32>
    %gt3A_158 = arith.cmpf ogt, %concatenate3A_155, %gt3A_157 : vector<24x1xf32>
    %and3A_159 = vector.broadcast %gt3A_158 : vector<24x1xi1> to vector<24x24xi1>
    %and3A_160 = arith.andi %gt3A, %and3A_159 : vector<24x24xi1>
    %jit3A_161 = arith.constant 24 : i32
    %broadcast_in_dim3A_162 = vector.broadcast %jit3A_161 : i32 to vector<24x24xi32>
    %select_n3A_163 = arith.select %and3A_160, %iota3A_124, %broadcast_in_dim3A_162 : vector<24x24xi1>, vector<24x24xi32>
    %reduce_min3A_164 = arith.constant dense<2147483647> : vector<24xi32>
    %reduce_min3A_165 = vector.multi_reduction <minsi>, %select_n3A_163, %reduce_min3A_164 [0] : vector<24x24xi32> to vector<24xi32>
    %broadcast_in_dim3A_166 = vector.shape_cast %reduce_min3A_165 : vector<24xi32> to vector<1x24xi32>
    %swap3A_167 = arith.constant 0 : index
    %swap3A_168 = arith.constant 0 : index
    %swap3A_169 = vector.load %arg8[%swap3A_167, %swap3A_168] : memref<1x24xi32, #tpu.memory_space<vmem>>, vector<1x24xi32>
    tpu.vector_store %arg8[%swap3A_167, %swap3A_168], %broadcast_in_dim3A_166 {strides = array<i32>} : memref<1x24xi32, #tpu.memory_space<vmem>>, vector<1x24xi32>,
    return
  }
}

module attributes {stable_mosaic.version = 14 : i64} {
  func.func @_ffn_kernel(%arg0: i32, %arg1: memref<24xi32, #tpu.memory_space<smem>>, %arg2: memref<24xi32, #tpu.memory_space<smem>>, %arg3: memref<24xi32, #tpu.memory_space<smem>>, %arg4: memref<24xi32, #tpu.memory_space<smem>>, %arg5: memref<256x1024xf32, #tpu.memory_space<vmem>>, %arg6: memref<8x1024x1024xf32, #tpu.memory_space<any>>, %arg7: memref<8x1024x1024xf32, #tpu.memory_space<any>>, %arg8: memref<8x1024x1024xf32, #tpu.memory_space<any>>, %arg9: memref<256x1024xf32, #tpu.memory_space<vmem>>, %arg10: memref<3x1024x1024xf32, #tpu.memory_space<vmem>>, %arg11: memref<3x1024x1024xf32, #tpu.memory_space<vmem>>, %arg12: memref<!tpu.dma_semaphore, #tpu.memory_space<semaphore_mem>>, %arg13: memref<!tpu.dma_semaphore, #tpu.memory_space<semaphore_mem>>, %arg14: memref<1xi32, #tpu.memory_space<smem>>) attributes {dimension_semantics = [#tpu.dimension_semantics<arbitrary>], iteration_bounds = array<i64: 24>, scalar_prefetch = 4 : i64, scratch_operands = 5 : i64, tpu.core_type = #tpu.core_type<tc>, window_params = [{transform_indices = @transform_0, window_bounds = array<i64: 256, 1024>}, {}, {}, {}, {transform_indices = @transform_4, window_bounds = array<i64: 256, 1024>}]} {
    %get3A = arith.index_cast %arg0 : i32 to index
    %get3A_0 = memref.load %arg1[%get3A] : memref<24xi32, #tpu.memory_space<smem>>
    %get3A_1 = arith.index_cast %arg0 : i32 to index
    %get3A_2 = memref.load %arg3[%get3A_1] : memref<24xi32, #tpu.memory_space<smem>>
    %get3A_3 = arith.index_cast %arg0 : i32 to index
    %get3A_4 = memref.load %arg2[%get3A_3] : memref<24xi32, #tpu.memory_space<smem>>
    %eq3A = arith.constant 0 : i32
    %eq3A_5 = arith.cmpi eq, %arg0, %eq3A : i32
    %convert_element_type3A = arith.extui %eq3A_5 : i1 to i32
    %cond3A = arith.constant 0 : i32
    %cond3A_6 = arith.cmpi ne, %convert_element_type3A, %cond3A : i32
    scf.if %cond3A_6 {
      %swap3A = arith.constant 0 : i32
      %swap3A_36 = arith.constant 0 : index
      %swap3A_37 = memref.load %arg14[%swap3A_36] : memref<1xi32, #tpu.memory_space<smem>>
      memref.store %swap3A, %arg14[%swap3A_36] : memref<1xi32, #tpu.memory_space<smem>>
      %dma_start3A = arith.constant 0 : i32
      %dma_start3A_38 = arith.constant 0 : i32
      %dma_start3A_39 = arith.constant 0 : i32
      %dma_start3A_40 = tpu.memref_slice %arg10[%dma_start3A, %dma_start3A_38, %dma_start3A_39] : memref<3x1024x1024xf32, #tpu.memory_space<vmem>> -> memref<1x1024x1024xf32, #tpu.memory_space<vmem>>
      %dma_start3A_41 = tpu.memref_squeeze %dma_start3A_40 : memref<1x1024x1024xf32, #tpu.memory_space<vmem>> -> memref<1024x1024xf32, #tpu.memory_space<vmem>>
      %dma_start3A_42 = arith.constant 0 : i32
      %dma_start3A_43 = arith.constant 0 : i32
      %dma_start3A_44 = tpu.memref_slice %arg6[%get3A_0, %dma_start3A_42, %dma_start3A_43] : memref<8x1024x1024xf32, #tpu.memory_space<any>> -> memref<1x1024x1024xf32, #tpu.memory_space<any>>
      %dma_start3A_45 = tpu.memref_squeeze %dma_start3A_44 : memref<1x1024x1024xf32, #tpu.memory_space<any>> -> memref<1024x1024xf32, #tpu.memory_space<any>>
      tpu.enqueue_dma source(%dma_start3A_45 : memref<1024x1024xf32, #tpu.memory_space<any>>) target(%dma_start3A_41 : memref<1024x1024xf32, #tpu.memory_space<vmem>>) target_semaphore(%arg12 : memref<!tpu.dma_semaphore, #tpu.memory_space<semaphore_mem>>)
      %dma_start3A_46 = arith.constant 1 : i32
      %dma_start3A_47 = arith.constant 0 : i32
      %dma_start3A_48 = arith.constant 0 : i32
      %dma_start3A_49 = tpu.memref_slice %arg10[%dma_start3A_46, %dma_start3A_47, %dma_start3A_48] : memref<3x1024x1024xf32, #tpu.memory_space<vmem>> -> memref<1x1024x1024xf32, #tpu.memory_space<vmem>>
      %dma_start3A_50 = tpu.memref_squeeze %dma_start3A_49 : memref<1x1024x1024xf32, #tpu.memory_space<vmem>> -> memref<1024x1024xf32, #tpu.memory_space<vmem>>
      %dma_start3A_51 = arith.constant 0 : i32
      %dma_start3A_52 = arith.constant 0 : i32
      %dma_start3A_53 = tpu.memref_slice %arg7[%get3A_0, %dma_start3A_51, %dma_start3A_52] : memref<8x1024x1024xf32, #tpu.memory_space<any>> -> memref<1x1024x1024xf32, #tpu.memory_space<any>>
      %dma_start3A_54 = tpu.memref_squeeze %dma_start3A_53 : memref<1x1024x1024xf32, #tpu.memory_space<any>> -> memref<1024x1024xf32, #tpu.memory_space<any>>
      tpu.enqueue_dma source(%dma_start3A_54 : memref<1024x1024xf32, #tpu.memory_space<any>>) target(%dma_start3A_50 : memref<1024x1024xf32, #tpu.memory_space<vmem>>) target_semaphore(%arg12 : memref<!tpu.dma_semaphore, #tpu.memory_space<semaphore_mem>>)
      %dma_start3A_55 = arith.constant 2 : i32
      %dma_start3A_56 = arith.constant 0 : i32
      %dma_start3A_57 = arith.constant 0 : i32
      %dma_start3A_58 = tpu.memref_slice %arg10[%dma_start3A_55, %dma_start3A_56, %dma_start3A_57] : memref<3x1024x1024xf32, #tpu.memory_space<vmem>> -> memref<1x1024x1024xf32, #tpu.memory_space<vmem>>
      %dma_start3A_59 = tpu.memref_squeeze %dma_start3A_58 : memref<1x1024x1024xf32, #tpu.memory_space<vmem>> -> memref<1024x1024xf32, #tpu.memory_space<vmem>>
      %dma_start3A_60 = arith.constant 0 : i32
      %dma_start3A_61 = arith.constant 0 : i32
      %dma_start3A_62 = tpu.memref_slice %arg8[%get3A_0, %dma_start3A_60, %dma_start3A_61] : memref<8x1024x1024xf32, #tpu.memory_space<any>> -> memref<1x1024x1024xf32, #tpu.memory_space<any>>
      %dma_start3A_63 = tpu.memref_squeeze %dma_start3A_62 : memref<1x1024x1024xf32, #tpu.memory_space<any>> -> memref<1024x1024xf32, #tpu.memory_space<any>>
      tpu.enqueue_dma source(%dma_start3A_63 : memref<1024x1024xf32, #tpu.memory_space<any>>) target(%dma_start3A_59 : memref<1024x1024xf32, #tpu.memory_space<vmem>>) target_semaphore(%arg12 : memref<!tpu.dma_semaphore, #tpu.memory_space<semaphore_mem>>)
    } else {
    }
    %eq3A_7 = arith.constant 0 : i32
    %eq3A_8 = arith.cmpi eq, %arg0, %eq3A_7 : i32
    %eq3A_9 = arith.constant 1 : i32
    %eq3A_10 = arith.cmpi eq, %get3A_4, %eq3A_9 : i32
    %or3A = arith.ori %eq3A_8, %eq3A_10 : i1
    %convert_element_type3A_11 = arith.extui %or3A : i1 to i32
    %cond3A_12 = arith.constant 0 : i32
    %cond3A_13 = arith.cmpi ne, %convert_element_type3A_11, %cond3A_12 : i32
    scf.if %cond3A_13 {
      %eq3A_36 = arith.constant 0 : i32
      %eq3A_37 = arith.cmpi eq, %get3A_2, %eq3A_36 : i32
      %convert_element_type3A_38 = arith.extui %eq3A_37 : i1 to i32
      %cond3A_39 = arith.constant 0 : i32
      %cond3A_40 = arith.cmpi ne, %convert_element_type3A_38, %cond3A_39 : i32
      scf.if %cond3A_40 {
        %dma_wait3A = arith.constant 0 : i32
        %dma_wait3A_46 = arith.constant 0 : i32
        %dma_wait3A_47 = arith.constant 0 : i32
        %dma_wait3A_48 = tpu.memref_slice %arg10[%dma_wait3A, %dma_wait3A_46, %dma_wait3A_47] : memref<3x1024x1024xf32, #tpu.memory_space<vmem>> -> memref<1x1024x1024xf32, #tpu.memory_space<vmem>>
        %dma_wait3A_49 = tpu.memref_squeeze %dma_wait3A_48 : memref<1x1024x1024xf32, #tpu.memory_space<vmem>> -> memref<1024x1024xf32, #tpu.memory_space<vmem>>
        %dma_wait3A_50 = arith.constant 0 : i32
        %dma_wait3A_51 = arith.constant 0 : i32
        %dma_wait3A_52 = tpu.memref_slice %arg6[%get3A_0, %dma_wait3A_50, %dma_wait3A_51] : memref<8x1024x1024xf32, #tpu.memory_space<any>> -> memref<1x1024x1024xf32, #tpu.memory_space<any>>
        %dma_wait3A_53 = tpu.memref_squeeze %dma_wait3A_52 : memref<1x1024x1024xf32, #tpu.memory_space<any>> -> memref<1024x1024xf32, #tpu.memory_space<any>>
        tpu.wait_dma2 semaphore(%arg12 : memref<!tpu.dma_semaphore, #tpu.memory_space<semaphore_mem>>) src(%dma_wait3A_53 : memref<1024x1024xf32, #tpu.memory_space<any>>) dst(%dma_wait3A_49 : memref<1024x1024xf32, #tpu.memory_space<vmem>>)
        %dma_wait3A_54 = arith.constant 1 : i32
        %dma_wait3A_55 = arith.constant 0 : i32
        %dma_wait3A_56 = arith.constant 0 : i32
        %dma_wait3A_57 = tpu.memref_slice %arg10[%dma_wait3A_54, %dma_wait3A_55, %dma_wait3A_56] : memref<3x1024x1024xf32, #tpu.memory_space<vmem>> -> memref<1x1024x1024xf32, #tpu.memory_space<vmem>>
        %dma_wait3A_58 = tpu.memref_squeeze %dma_wait3A_57 : memref<1x1024x1024xf32, #tpu.memory_space<vmem>> -> memref<1024x1024xf32, #tpu.memory_space<vmem>>
        %dma_wait3A_59 = arith.constant 0 : i32
        %dma_wait3A_60 = arith.constant 0 : i32
        %dma_wait3A_61 = tpu.memref_slice %arg7[%get3A_0, %dma_wait3A_59, %dma_wait3A_60] : memref<8x1024x1024xf32, #tpu.memory_space<any>> -> memref<1x1024x1024xf32, #tpu.memory_space<any>>
        %dma_wait3A_62 = tpu.memref_squeeze %dma_wait3A_61 : memref<1x1024x1024xf32, #tpu.memory_space<any>> -> memref<1024x1024xf32, #tpu.memory_space<any>>
        tpu.wait_dma2 semaphore(%arg12 : memref<!tpu.dma_semaphore, #tpu.memory_space<semaphore_mem>>) src(%dma_wait3A_62 : memref<1024x1024xf32, #tpu.memory_space<any>>) dst(%dma_wait3A_58 : memref<1024x1024xf32, #tpu.memory_space<vmem>>)
        %dma_wait3A_63 = arith.constant 2 : i32
        %dma_wait3A_64 = arith.constant 0 : i32
        %dma_wait3A_65 = arith.constant 0 : i32
        %dma_wait3A_66 = tpu.memref_slice %arg10[%dma_wait3A_63, %dma_wait3A_64, %dma_wait3A_65] : memref<3x1024x1024xf32, #tpu.memory_space<vmem>> -> memref<1x1024x1024xf32, #tpu.memory_space<vmem>>
        %dma_wait3A_67 = tpu.memref_squeeze %dma_wait3A_66 : memref<1x1024x1024xf32, #tpu.memory_space<vmem>> -> memref<1024x1024xf32, #tpu.memory_space<vmem>>
        %dma_wait3A_68 = arith.constant 0 : i32
        %dma_wait3A_69 = arith.constant 0 : i32
        %dma_wait3A_70 = tpu.memref_slice %arg8[%get3A_0, %dma_wait3A_68, %dma_wait3A_69] : memref<8x1024x1024xf32, #tpu.memory_space<any>> -> memref<1x1024x1024xf32, #tpu.memory_space<any>>
        %dma_wait3A_71 = tpu.memref_squeeze %dma_wait3A_70 : memref<1x1024x1024xf32, #tpu.memory_space<any>> -> memref<1024x1024xf32, #tpu.memory_space<any>>
        tpu.wait_dma2 semaphore(%arg12 : memref<!tpu.dma_semaphore, #tpu.memory_space<semaphore_mem>>) src(%dma_wait3A_71 : memref<1024x1024xf32, #tpu.memory_space<any>>) dst(%dma_wait3A_67 : memref<1024x1024xf32, #tpu.memory_space<vmem>>)
      } else {
      }
      %eq3A_41 = arith.constant 1 : i32
      %eq3A_42 = arith.cmpi eq, %get3A_2, %eq3A_41 : i32
      %convert_element_type3A_43 = arith.extui %eq3A_42 : i1 to i32
      %cond3A_44 = arith.constant 0 : i32
      %cond3A_45 = arith.cmpi ne, %convert_element_type3A_43, %cond3A_44 : i32
      scf.if %cond3A_45 {
        %dma_wait3A = arith.constant 0 : i32
        %dma_wait3A_46 = arith.constant 0 : i32
        %dma_wait3A_47 = arith.constant 0 : i32
        %dma_wait3A_48 = tpu.memref_slice %arg11[%dma_wait3A, %dma_wait3A_46, %dma_wait3A_47] : memref<3x1024x1024xf32, #tpu.memory_space<vmem>> -> memref<1x1024x1024xf32, #tpu.memory_space<vmem>>
        %dma_wait3A_49 = tpu.memref_squeeze %dma_wait3A_48 : memref<1x1024x1024xf32, #tpu.memory_space<vmem>> -> memref<1024x1024xf32, #tpu.memory_space<vmem>>
        %dma_wait3A_50 = arith.constant 0 : i32
        %dma_wait3A_51 = arith.constant 0 : i32
        %dma_wait3A_52 = tpu.memref_slice %arg6[%get3A_0, %dma_wait3A_50, %dma_wait3A_51] : memref<8x1024x1024xf32, #tpu.memory_space<any>> -> memref<1x1024x1024xf32, #tpu.memory_space<any>>
        %dma_wait3A_53 = tpu.memref_squeeze %dma_wait3A_52 : memref<1x1024x1024xf32, #tpu.memory_space<any>> -> memref<1024x1024xf32, #tpu.memory_space<any>>
        tpu.wait_dma2 semaphore(%arg13 : memref<!tpu.dma_semaphore, #tpu.memory_space<semaphore_mem>>) src(%dma_wait3A_53 : memref<1024x1024xf32, #tpu.memory_space<any>>) dst(%dma_wait3A_49 : memref<1024x1024xf32, #tpu.memory_space<vmem>>)
        %dma_wait3A_54 = arith.constant 1 : i32
        %dma_wait3A_55 = arith.constant 0 : i32
        %dma_wait3A_56 = arith.constant 0 : i32
        %dma_wait3A_57 = tpu.memref_slice %arg11[%dma_wait3A_54, %dma_wait3A_55, %dma_wait3A_56] : memref<3x1024x1024xf32, #tpu.memory_space<vmem>> -> memref<1x1024x1024xf32, #tpu.memory_space<vmem>>
        %dma_wait3A_58 = tpu.memref_squeeze %dma_wait3A_57 : memref<1x1024x1024xf32, #tpu.memory_space<vmem>> -> memref<1024x1024xf32, #tpu.memory_space<vmem>>
        %dma_wait3A_59 = arith.constant 0 : i32
        %dma_wait3A_60 = arith.constant 0 : i32
        %dma_wait3A_61 = tpu.memref_slice %arg7[%get3A_0, %dma_wait3A_59, %dma_wait3A_60] : memref<8x1024x1024xf32, #tpu.memory_space<any>> -> memref<1x1024x1024xf32, #tpu.memory_space<any>>
        %dma_wait3A_62 = tpu.memref_squeeze %dma_wait3A_61 : memref<1x1024x1024xf32, #tpu.memory_space<any>> -> memref<1024x1024xf32, #tpu.memory_space<any>>
        tpu.wait_dma2 semaphore(%arg13 : memref<!tpu.dma_semaphore, #tpu.memory_space<semaphore_mem>>) src(%dma_wait3A_62 : memref<1024x1024xf32, #tpu.memory_space<any>>) dst(%dma_wait3A_58 : memref<1024x1024xf32, #tpu.memory_space<vmem>>)
        %dma_wait3A_63 = arith.constant 2 : i32
        %dma_wait3A_64 = arith.constant 0 : i32
        %dma_wait3A_65 = arith.constant 0 : i32
        %dma_wait3A_66 = tpu.memref_slice %arg11[%dma_wait3A_63, %dma_wait3A_64, %dma_wait3A_65] : memref<3x1024x1024xf32, #tpu.memory_space<vmem>> -> memref<1x1024x1024xf32, #tpu.memory_space<vmem>>
        %dma_wait3A_67 = tpu.memref_squeeze %dma_wait3A_66 : memref<1x1024x1024xf32, #tpu.memory_space<vmem>> -> memref<1024x1024xf32, #tpu.memory_space<vmem>>
        %dma_wait3A_68 = arith.constant 0 : i32
        %dma_wait3A_69 = arith.constant 0 : i32
        %dma_wait3A_70 = tpu.memref_slice %arg8[%get3A_0, %dma_wait3A_68, %dma_wait3A_69] : memref<8x1024x1024xf32, #tpu.memory_space<any>> -> memref<1x1024x1024xf32, #tpu.memory_space<any>>
        %dma_wait3A_71 = tpu.memref_squeeze %dma_wait3A_70 : memref<1x1024x1024xf32, #tpu.memory_space<any>> -> memref<1024x1024xf32, #tpu.memory_space<any>>
        tpu.wait_dma2 semaphore(%arg13 : memref<!tpu.dma_semaphore, #tpu.memory_space<semaphore_mem>>) src(%dma_wait3A_71 : memref<1024x1024xf32, #tpu.memory_space<any>>) dst(%dma_wait3A_67 : memref<1024x1024xf32, #tpu.memory_space<vmem>>)
      } else {
      }
    } else {
    }
    %get3A_14 = arith.index_cast %arg0 : i32 to index
    %get3A_15 = memref.load %arg4[%get3A_14] : memref<24xi32, #tpu.memory_space<smem>>
    %lt3A = arith.constant 24 : i32
    %lt3A_16 = arith.cmpi slt, %get3A_15, %lt3A : i32
    %get3A_17 = arith.constant 0 : index
    %get3A_18 = memref.load %arg14[%get3A_17] : memref<1xi32, #tpu.memory_space<smem>>
    %lt3A_19 = arith.cmpi slt, %get3A_18, %get3A_15 : i32
    %and3A = arith.andi %lt3A_16, %lt3A_19 : i1
    %convert_element_type3A_20 = arith.extui %and3A : i1 to i32
    %cond3A_21 = arith.constant 0 : i32
    %cond3A_22 = arith.cmpi ne, %convert_element_type3A_20, %cond3A_21 : i32
    scf.if %cond3A_22 {
      %min3A = arith.constant 23 : i32
      %min3A_36 = arith.minsi %get3A_15, %min3A : i32
      %get3A_37 = arith.index_cast %min3A_36 : i32 to index
      %get3A_38 = memref.load %arg1[%get3A_37] : memref<24xi32, #tpu.memory_space<smem>>
      %swap3A = arith.constant 0 : index
      %swap3A_39 = memref.load %arg14[%swap3A] : memref<1xi32, #tpu.memory_space<smem>>
      memref.store %get3A_15, %arg14[%swap3A] : memref<1xi32, #tpu.memory_space<smem>>
      %eq3A_40 = arith.constant 0 : i32
      %eq3A_41 = arith.cmpi eq, %get3A_2, %eq3A_40 : i32
      %convert_element_type3A_42 = arith.extui %eq3A_41 : i1 to i32
      %cond3A_43 = arith.constant 0 : i32
      %cond3A_44 = arith.cmpi ne, %convert_element_type3A_42, %cond3A_43 : i32
      scf.if %cond3A_44 {
        %dma_start3A = arith.constant 0 : i32
        %dma_start3A_50 = arith.constant 0 : i32
        %dma_start3A_51 = arith.constant 0 : i32
        %dma_start3A_52 = tpu.memref_slice %arg11[%dma_start3A, %dma_start3A_50, %dma_start3A_51] : memref<3x1024x1024xf32, #tpu.memory_space<vmem>> -> memref<1x1024x1024xf32, #tpu.memory_space<vmem>>
        %dma_start3A_53 = tpu.memref_squeeze %dma_start3A_52 : memref<1x1024x1024xf32, #tpu.memory_space<vmem>> -> memref<1024x1024xf32, #tpu.memory_space<vmem>>
        %dma_start3A_54 = arith.constant 0 : i32
        %dma_start3A_55 = arith.constant 0 : i32
        %dma_start3A_56 = tpu.memref_slice %arg6[%get3A_38, %dma_start3A_54, %dma_start3A_55] : memref<8x1024x1024xf32, #tpu.memory_space<any>> -> memref<1x1024x1024xf32, #tpu.memory_space<any>>
        %dma_start3A_57 = tpu.memref_squeeze %dma_start3A_56 : memref<1x1024x1024xf32, #tpu.memory_space<any>> -> memref<1024x1024xf32, #tpu.memory_space<any>>
        tpu.enqueue_dma source(%dma_start3A_57 : memref<1024x1024xf32, #tpu.memory_space<any>>) target(%dma_start3A_53 : memref<1024x1024xf32, #tpu.memory_space<vmem>>) target_semaphore(%arg13 : memref<!tpu.dma_semaphore, #tpu.memory_space<semaphore_mem>>)
        %dma_start3A_58 = arith.constant 1 : i32
        %dma_start3A_59 = arith.constant 0 : i32
        %dma_start3A_60 = arith.constant 0 : i32
        %dma_start3A_61 = tpu.memref_slice %arg11[%dma_start3A_58, %dma_start3A_59, %dma_start3A_60] : memref<3x1024x1024xf32, #tpu.memory_space<vmem>> -> memref<1x1024x1024xf32, #tpu.memory_space<vmem>>
        %dma_start3A_62 = tpu.memref_squeeze %dma_start3A_61 : memref<1x1024x1024xf32, #tpu.memory_space<vmem>> -> memref<1024x1024xf32, #tpu.memory_space<vmem>>
        %dma_start3A_63 = arith.constant 0 : i32
        %dma_start3A_64 = arith.constant 0 : i32
        %dma_start3A_65 = tpu.memref_slice %arg7[%get3A_38, %dma_start3A_63, %dma_start3A_64] : memref<8x1024x1024xf32, #tpu.memory_space<any>> -> memref<1x1024x1024xf32, #tpu.memory_space<any>>
        %dma_start3A_66 = tpu.memref_squeeze %dma_start3A_65 : memref<1x1024x1024xf32, #tpu.memory_space<any>> -> memref<1024x1024xf32, #tpu.memory_space<any>>
        tpu.enqueue_dma source(%dma_start3A_66 : memref<1024x1024xf32, #tpu.memory_space<any>>) target(%dma_start3A_62 : memref<1024x1024xf32, #tpu.memory_space<vmem>>) target_semaphore(%arg13 : memref<!tpu.dma_semaphore, #tpu.memory_space<semaphore_mem>>)
        %dma_start3A_67 = arith.constant 2 : i32
        %dma_start3A_68 = arith.constant 0 : i32
        %dma_start3A_69 = arith.constant 0 : i32
        %dma_start3A_70 = tpu.memref_slice %arg11[%dma_start3A_67, %dma_start3A_68, %dma_start3A_69] : memref<3x1024x1024xf32, #tpu.memory_space<vmem>> -> memref<1x1024x1024xf32, #tpu.memory_space<vmem>>
        %dma_start3A_71 = tpu.memref_squeeze %dma_start3A_70 : memref<1x1024x1024xf32, #tpu.memory_space<vmem>> -> memref<1024x1024xf32, #tpu.memory_space<vmem>>
        %dma_start3A_72 = arith.constant 0 : i32
        %dma_start3A_73 = arith.constant 0 : i32
        %dma_start3A_74 = tpu.memref_slice %arg8[%get3A_38, %dma_start3A_72, %dma_start3A_73] : memref<8x1024x1024xf32, #tpu.memory_space<any>> -> memref<1x1024x1024xf32, #tpu.memory_space<any>>
        %dma_start3A_75 = tpu.memref_squeeze %dma_start3A_74 : memref<1x1024x1024xf32, #tpu.memory_space<any>> -> memref<1024x1024xf32, #tpu.memory_space<any>>
        tpu.enqueue_dma source(%dma_start3A_75 : memref<1024x1024xf32, #tpu.memory_space<any>>) target(%dma_start3A_71 : memref<1024x1024xf32, #tpu.memory_space<vmem>>) target_semaphore(%arg13 : memref<!tpu.dma_semaphore, #tpu.memory_space<semaphore_mem>>)
      } else {
      }
      %eq3A_45 = arith.constant 1 : i32
      %eq3A_46 = arith.cmpi eq, %get3A_2, %eq3A_45 : i32
      %convert_element_type3A_47 = arith.extui %eq3A_46 : i1 to i32
      %cond3A_48 = arith.constant 0 : i32
      %cond3A_49 = arith.cmpi ne, %convert_element_type3A_47, %cond3A_48 : i32
      scf.if %cond3A_49 {
        %dma_start3A = arith.constant 0 : i32
        %dma_start3A_50 = arith.constant 0 : i32
        %dma_start3A_51 = arith.constant 0 : i32
        %dma_start3A_52 = tpu.memref_slice %arg10[%dma_start3A, %dma_start3A_50, %dma_start3A_51] : memref<3x1024x1024xf32, #tpu.memory_space<vmem>> -> memref<1x1024x1024xf32, #tpu.memory_space<vmem>>
        %dma_start3A_53 = tpu.memref_squeeze %dma_start3A_52 : memref<1x1024x1024xf32, #tpu.memory_space<vmem>> -> memref<1024x1024xf32, #tpu.memory_space<vmem>>
        %dma_start3A_54 = arith.constant 0 : i32
        %dma_start3A_55 = arith.constant 0 : i32
        %dma_start3A_56 = tpu.memref_slice %arg6[%get3A_38, %dma_start3A_54, %dma_start3A_55] : memref<8x1024x1024xf32, #tpu.memory_space<any>> -> memref<1x1024x1024xf32, #tpu.memory_space<any>>
        %dma_start3A_57 = tpu.memref_squeeze %dma_start3A_56 : memref<1x1024x1024xf32, #tpu.memory_space<any>> -> memref<1024x1024xf32, #tpu.memory_space<any>>
        tpu.enqueue_dma source(%dma_start3A_57 : memref<1024x1024xf32, #tpu.memory_space<any>>) target(%dma_start3A_53 : memref<1024x1024xf32, #tpu.memory_space<vmem>>) target_semaphore(%arg12 : memref<!tpu.dma_semaphore, #tpu.memory_space<semaphore_mem>>)
        %dma_start3A_58 = arith.constant 1 : i32
        %dma_start3A_59 = arith.constant 0 : i32
        %dma_start3A_60 = arith.constant 0 : i32
        %dma_start3A_61 = tpu.memref_slice %arg10[%dma_start3A_58, %dma_start3A_59, %dma_start3A_60] : memref<3x1024x1024xf32, #tpu.memory_space<vmem>> -> memref<1x1024x1024xf32, #tpu.memory_space<vmem>>
        %dma_start3A_62 = tpu.memref_squeeze %dma_start3A_61 : memref<1x1024x1024xf32, #tpu.memory_space<vmem>> -> memref<1024x1024xf32, #tpu.memory_space<vmem>>
        %dma_start3A_63 = arith.constant 0 : i32
        %dma_start3A_64 = arith.constant 0 : i32
        %dma_start3A_65 = tpu.memref_slice %arg7[%get3A_38, %dma_start3A_63, %dma_start3A_64] : memref<8x1024x1024xf32, #tpu.memory_space<any>> -> memref<1x1024x1024xf32, #tpu.memory_space<any>>
        %dma_start3A_66 = tpu.memref_squeeze %dma_start3A_65 : memref<1x1024x1024xf32, #tpu.memory_space<any>> -> memref<1024x1024xf32, #tpu.memory_space<any>>
        tpu.enqueue_dma source(%dma_start3A_66 : memref<1024x1024xf32, #tpu.memory_space<any>>) target(%dma_start3A_62 : memref<1024x1024xf32, #tpu.memory_space<vmem>>) target_semaphore(%arg12 : memref<!tpu.dma_semaphore, #tpu.memory_space<semaphore_mem>>)
        %dma_start3A_67 = arith.constant 2 : i32
        %dma_start3A_68 = arith.constant 0 : i32
        %dma_start3A_69 = arith.constant 0 : i32
        %dma_start3A_70 = tpu.memref_slice %arg10[%dma_start3A_67, %dma_start3A_68, %dma_start3A_69] : memref<3x1024x1024xf32, #tpu.memory_space<vmem>> -> memref<1x1024x1024xf32, #tpu.memory_space<vmem>>
        %dma_start3A_71 = tpu.memref_squeeze %dma_start3A_70 : memref<1x1024x1024xf32, #tpu.memory_space<vmem>> -> memref<1024x1024xf32, #tpu.memory_space<vmem>>
        %dma_start3A_72 = arith.constant 0 : i32
        %dma_start3A_73 = arith.constant 0 : i32
        %dma_start3A_74 = tpu.memref_slice %arg8[%get3A_38, %dma_start3A_72, %dma_start3A_73] : memref<8x1024x1024xf32, #tpu.memory_space<any>> -> memref<1x1024x1024xf32, #tpu.memory_space<any>>
        %dma_start3A_75 = tpu.memref_squeeze %dma_start3A_74 : memref<1x1024x1024xf32, #tpu.memory_space<any>> -> memref<1024x1024xf32, #tpu.memory_space<any>>
        tpu.enqueue_dma source(%dma_start3A_75 : memref<1024x1024xf32, #tpu.memory_space<any>>) target(%dma_start3A_71 : memref<1024x1024xf32, #tpu.memory_space<vmem>>) target_semaphore(%arg12 : memref<!tpu.dma_semaphore, #tpu.memory_space<semaphore_mem>>)
      } else {
      }
    } else {
    }
    %get3A_23 = arith.constant 0 : index
    %get3A_24 = arith.constant 0 : index
    %get3A_25 = vector.load %arg5[%get3A_23, %get3A_24] : memref<256x1024xf32, #tpu.memory_space<vmem>>, vector<256x1024xf32>
    %eq3A_26 = arith.constant 0 : i32
    %eq3A_27 = arith.cmpi eq, %get3A_2, %eq3A_26 : i32
    %convert_element_type3A_28 = arith.extui %eq3A_27 : i1 to i32
    %cond3A_29 = arith.constant 0 : i32
    %cond3A_30 = arith.cmpi ne, %convert_element_type3A_28, %cond3A_29 : i32
    scf.if %cond3A_30 {
      %get3A_36 = arith.constant 0 : index
      %get3A_37 = arith.constant 0 : index
      %get3A_38 = arith.constant 0 : index
      %get3A_39 = vector.load %arg10[%get3A_36, %get3A_37, %get3A_38] : memref<3x1024x1024xf32, #tpu.memory_space<vmem>>, vector<1x1024x1024xf32>
      %get3A_40 = vector.shape_cast %get3A_39 : vector<1x1024x1024xf32> to vector<1024x1024xf32>
      %dot_general3A = arith.constant dense<0.000000e+00> : vector<256x1024xf32>
      %dot_general3A_41 = tpu.matmul %get3A_25, %get3A_40, %dot_general3A {dimension_numbers = #tpu.dot_dimension_numbers<[1], [1], [0], [0], [0, 0, 1, 0], [], []>, transpose_lhs_hint = false} : vector<256x1024xf32>, vector<1024x1024xf32>, vector<256x1024xf32> -> vector<256x1024xf32>
      %get3A_42 = arith.constant 1 : index
      %get3A_43 = arith.constant 0 : index
      %get3A_44 = arith.constant 0 : index
      %get3A_45 = vector.load %arg10[%get3A_42, %get3A_43, %get3A_44] : memref<3x1024x1024xf32, #tpu.memory_space<vmem>>, vector<1x1024x1024xf32>
      %get3A_46 = vector.shape_cast %get3A_45 : vector<1x1024x1024xf32> to vector<1024x1024xf32>
      %dot_general3A_47 = arith.constant dense<0.000000e+00> : vector<256x1024xf32>
      %dot_general3A_48 = tpu.matmul %get3A_25, %get3A_46, %dot_general3A_47 {dimension_numbers = #tpu.dot_dimension_numbers<[1], [1], [0], [0], [0, 0, 1, 0], [], []>, transpose_lhs_hint = false} : vector<256x1024xf32>, vector<1024x1024xf32>, vector<256x1024xf32> -> vector<256x1024xf32>
      %logistic3A = arith.negf %dot_general3A_41 : vector<256x1024xf32>
      %logistic3A_49 = math.exp %logistic3A : vector<256x1024xf32>
      %logistic3A_50 = arith.constant 1.000000e+00 : f32
      %logistic3A_51 = vector.broadcast %logistic3A_50 : f32 to vector<256x1024xf32>
      %logistic3A_52 = arith.addf %logistic3A_51, %logistic3A_49 : vector<256x1024xf32>
      %logistic3A_53 = arith.divf %logistic3A_51, %logistic3A_52 : vector<256x1024xf32>
      %mul3A = arith.mulf %dot_general3A_41, %logistic3A_53 : vector<256x1024xf32>
      %mul3A_54 = arith.mulf %mul3A, %dot_general3A_48 : vector<256x1024xf32>
      %get3A_55 = arith.constant 2 : index
      %get3A_56 = arith.constant 0 : index
      %get3A_57 = arith.constant 0 : index
      %get3A_58 = vector.load %arg10[%get3A_55, %get3A_56, %get3A_57] : memref<3x1024x1024xf32, #tpu.memory_space<vmem>>, vector<1x1024x1024xf32>
      %get3A_59 = vector.shape_cast %get3A_58 : vector<1x1024x1024xf32> to vector<1024x1024xf32>
      %dot_general3A_60 = arith.constant dense<0.000000e+00> : vector<256x1024xf32>
      %dot_general3A_61 = tpu.matmul %mul3A_54, %get3A_59, %dot_general3A_60 {dimension_numbers = #tpu.dot_dimension_numbers<[1], [1], [0], [0], [0, 0, 1, 0], [], []>, transpose_lhs_hint = false} : vector<256x1024xf32>, vector<1024x1024xf32>, vector<256x1024xf32> -> vector<256x1024xf32>
      %swap3A = arith.constant 0 : index
      %swap3A_62 = arith.constant 0 : index
      %swap3A_63 = vector.load %arg9[%swap3A, %swap3A_62] : memref<256x1024xf32, #tpu.memory_space<vmem>>, vector<256x1024xf32>
      tpu.vector_store %arg9[%swap3A, %swap3A_62], %dot_general3A_61 {strides = array<i32>} : memref<256x1024xf32, #tpu.memory_space<vmem>>, vector<256x1024xf32>,
    } else {
    }
    %eq3A_31 = arith.constant 1 : i32
    %eq3A_32 = arith.cmpi eq, %get3A_2, %eq3A_31 : i32
    %convert_element_type3A_33 = arith.extui %eq3A_32 : i1 to i32
    %cond3A_34 = arith.constant 0 : i32
    %cond3A_35 = arith.cmpi ne, %convert_element_type3A_33, %cond3A_34 : i32
    scf.if %cond3A_35 {
      %get3A_36 = arith.constant 0 : index
      %get3A_37 = arith.constant 0 : index
      %get3A_38 = arith.constant 0 : index
      %get3A_39 = vector.load %arg11[%get3A_36, %get3A_37, %get3A_38] : memref<3x1024x1024xf32, #tpu.memory_space<vmem>>, vector<1x1024x1024xf32>
      %get3A_40 = vector.shape_cast %get3A_39 : vector<1x1024x1024xf32> to vector<1024x1024xf32>
      %dot_general3A = arith.constant dense<0.000000e+00> : vector<256x1024xf32>
      %dot_general3A_41 = tpu.matmul %get3A_25, %get3A_40, %dot_general3A {dimension_numbers = #tpu.dot_dimension_numbers<[1], [1], [0], [0], [0, 0, 1, 0], [], []>, transpose_lhs_hint = false} : vector<256x1024xf32>, vector<1024x1024xf32>, vector<256x1024xf32> -> vector<256x1024xf32>
      %get3A_42 = arith.constant 1 : index
      %get3A_43 = arith.constant 0 : index
      %get3A_44 = arith.constant 0 : index
      %get3A_45 = vector.load %arg11[%get3A_42, %get3A_43, %get3A_44] : memref<3x1024x1024xf32, #tpu.memory_space<vmem>>, vector<1x1024x1024xf32>
      %get3A_46 = vector.shape_cast %get3A_45 : vector<1x1024x1024xf32> to vector<1024x1024xf32>
      %dot_general3A_47 = arith.constant dense<0.000000e+00> : vector<256x1024xf32>
      %dot_general3A_48 = tpu.matmul %get3A_25, %get3A_46, %dot_general3A_47 {dimension_numbers = #tpu.dot_dimension_numbers<[1], [1], [0], [0], [0, 0, 1, 0], [], []>, transpose_lhs_hint = false} : vector<256x1024xf32>, vector<1024x1024xf32>, vector<256x1024xf32> -> vector<256x1024xf32>
      %logistic3A = arith.negf %dot_general3A_41 : vector<256x1024xf32>
      %logistic3A_49 = math.exp %logistic3A : vector<256x1024xf32>
      %logistic3A_50 = arith.constant 1.000000e+00 : f32
      %logistic3A_51 = vector.broadcast %logistic3A_50 : f32 to vector<256x1024xf32>
      %logistic3A_52 = arith.addf %logistic3A_51, %logistic3A_49 : vector<256x1024xf32>
      %logistic3A_53 = arith.divf %logistic3A_51, %logistic3A_52 : vector<256x1024xf32>
      %mul3A = arith.mulf %dot_general3A_41, %logistic3A_53 : vector<256x1024xf32>
      %mul3A_54 = arith.mulf %mul3A, %dot_general3A_48 : vector<256x1024xf32>
      %get3A_55 = arith.constant 2 : index
      %get3A_56 = arith.constant 0 : index
      %get3A_57 = arith.constant 0 : index
      %get3A_58 = vector.load %arg11[%get3A_55, %get3A_56, %get3A_57] : memref<3x1024x1024xf32, #tpu.memory_space<vmem>>, vector<1x1024x1024xf32>
      %get3A_59 = vector.shape_cast %get3A_58 : vector<1x1024x1024xf32> to vector<1024x1024xf32>
      %dot_general3A_60 = arith.constant dense<0.000000e+00> : vector<256x1024xf32>
      %dot_general3A_61 = tpu.matmul %mul3A_54, %get3A_59, %dot_general3A_60 {dimension_numbers = #tpu.dot_dimension_numbers<[1], [1], [0], [0], [0, 0, 1, 0], [], []>, transpose_lhs_hint = false} : vector<256x1024xf32>, vector<1024x1024xf32>, vector<256x1024xf32> -> vector<256x1024xf32>
      %swap3A = arith.constant 0 : index
      %swap3A_62 = arith.constant 0 : index
      %swap3A_63 = vector.load %arg9[%swap3A, %swap3A_62] : memref<256x1024xf32, #tpu.memory_space<vmem>>, vector<256x1024xf32>
      tpu.vector_store %arg9[%swap3A, %swap3A_62], %dot_general3A_61 {strides = array<i32>} : memref<256x1024xf32, #tpu.memory_space<vmem>>, vector<256x1024xf32>,
    } else {
    }
    return
  }
  func.func @transform_0(%arg0: i32, %arg1: memref<24xi32, #tpu.memory_space<smem>>, %arg2: memref<24xi32, #tpu.memory_space<smem>>, %arg3: memref<24xi32, #tpu.memory_space<smem>>, %arg4: memref<24xi32, #tpu.memory_space<smem>>) -> (i32, i32) {
    %c0_i32 = arith.constant 0 : i32
    %c0_i32_0 = arith.constant 0 : i32
    return %arg0, %c0_i32 : i32, i32
  }
  func.func @transform_4(%arg0: i32, %arg1: memref<24xi32, #tpu.memory_space<smem>>, %arg2: memref<24xi32, #tpu.memory_space<smem>>, %arg3: memref<24xi32, #tpu.memory_space<smem>>, %arg4: memref<24xi32, #tpu.memory_space<smem>>) -> (i32, i32) {
    %c0_i32 = arith.constant 0 : i32
    %c0_i32_0 = arith.constant 0 : i32
    return %arg0, %c0_i32 : i32, i32
  }
}

module attributes {stable_mosaic.version = 14 : i64} {
  func.func @_shared_kernel(%arg0: i32, %arg1: memref<512x1024xf32, #tpu.memory_space<vmem>>, %arg2: memref<1024x1024xf32, #tpu.memory_space<vmem>>, %arg3: memref<1024x1024xf32, #tpu.memory_space<vmem>>, %arg4: memref<1024x1024xf32, #tpu.memory_space<vmem>>, %arg5: memref<512x1024xf32, #tpu.memory_space<vmem>>) attributes {dimension_semantics = [#tpu.dimension_semantics<arbitrary>], iteration_bounds = array<i64: 4>, scalar_prefetch = 0 : i64, scratch_operands = 0 : i64, tpu.core_type = #tpu.core_type<tc>, window_params = [{transform_indices = @transform_0, window_bounds = array<i64: 512, 1024>}, {pipeline_mode = #tpu.pipeline_mode<synchronous>, transform_indices = @transform_1, window_bounds = array<i64: 1024, 1024>}, {pipeline_mode = #tpu.pipeline_mode<synchronous>, transform_indices = @transform_2, window_bounds = array<i64: 1024, 1024>}, {pipeline_mode = #tpu.pipeline_mode<synchronous>, transform_indices = @transform_3, window_bounds = array<i64: 1024, 1024>}, {transform_indices = @transform_4, window_bounds = array<i64: 512, 1024>}]} {
    %get3A = arith.constant 0 : index
    %get3A_0 = arith.constant 0 : index
    %get3A_1 = vector.load %arg1[%get3A, %get3A_0] : memref<512x1024xf32, #tpu.memory_space<vmem>>, vector<512x1024xf32>
    %get3A_2 = arith.constant 0 : index
    %get3A_3 = arith.constant 0 : index
    %get3A_4 = vector.load %arg2[%get3A_2, %get3A_3] : memref<1024x1024xf32, #tpu.memory_space<vmem>>, vector<1024x1024xf32>
    %dot_general3A = arith.constant dense<0.000000e+00> : vector<512x1024xf32>
    %dot_general3A_5 = tpu.matmul %get3A_1, %get3A_4, %dot_general3A {dimension_numbers = #tpu.dot_dimension_numbers<[1], [1], [0], [0], [0, 0, 1, 0], [], []>, transpose_lhs_hint = false} : vector<512x1024xf32>, vector<1024x1024xf32>, vector<512x1024xf32> -> vector<512x1024xf32>
    %get3A_6 = arith.constant 0 : index
    %get3A_7 = arith.constant 0 : index
    %get3A_8 = vector.load %arg3[%get3A_6, %get3A_7] : memref<1024x1024xf32, #tpu.memory_space<vmem>>, vector<1024x1024xf32>
    %dot_general3A_9 = arith.constant dense<0.000000e+00> : vector<512x1024xf32>
    %dot_general3A_10 = tpu.matmul %get3A_1, %get3A_8, %dot_general3A_9 {dimension_numbers = #tpu.dot_dimension_numbers<[1], [1], [0], [0], [0, 0, 1, 0], [], []>, transpose_lhs_hint = false} : vector<512x1024xf32>, vector<1024x1024xf32>, vector<512x1024xf32> -> vector<512x1024xf32>
    %logistic3A = arith.negf %dot_general3A_5 : vector<512x1024xf32>
    %logistic3A_11 = math.exp %logistic3A : vector<512x1024xf32>
    %logistic3A_12 = arith.constant 1.000000e+00 : f32
    %logistic3A_13 = vector.broadcast %logistic3A_12 : f32 to vector<512x1024xf32>
    %logistic3A_14 = arith.addf %logistic3A_13, %logistic3A_11 : vector<512x1024xf32>
    %logistic3A_15 = arith.divf %logistic3A_13, %logistic3A_14 : vector<512x1024xf32>
    %mul3A = arith.mulf %dot_general3A_5, %logistic3A_15 : vector<512x1024xf32>
    %mul3A_16 = arith.mulf %mul3A, %dot_general3A_10 : vector<512x1024xf32>
    %get3A_17 = arith.constant 0 : index
    %get3A_18 = arith.constant 0 : index
    %get3A_19 = vector.load %arg4[%get3A_17, %get3A_18] : memref<1024x1024xf32, #tpu.memory_space<vmem>>, vector<1024x1024xf32>
    %dot_general3A_20 = arith.constant dense<0.000000e+00> : vector<512x1024xf32>
    %dot_general3A_21 = tpu.matmul %mul3A_16, %get3A_19, %dot_general3A_20 {dimension_numbers = #tpu.dot_dimension_numbers<[1], [1], [0], [0], [0, 0, 1, 0], [], []>, transpose_lhs_hint = false} : vector<512x1024xf32>, vector<1024x1024xf32>, vector<512x1024xf32> -> vector<512x1024xf32>
    %swap3A = arith.constant 0 : index
    %swap3A_22 = arith.constant 0 : index
    %swap3A_23 = vector.load %arg5[%swap3A, %swap3A_22] : memref<512x1024xf32, #tpu.memory_space<vmem>>, vector<512x1024xf32>
    tpu.vector_store %arg5[%swap3A, %swap3A_22], %dot_general3A_21 {strides = array<i32>} : memref<512x1024xf32, #tpu.memory_space<vmem>>, vector<512x1024xf32>,
    return
  }
  func.func @transform_0(%arg0: i32) -> (i32, i32) {
    %c0_i32 = arith.constant 0 : i32
    %c0_i32_0 = arith.constant 0 : i32
    return %arg0, %c0_i32 : i32, i32
  }
  func.func @transform_1(%arg0: i32) -> (i32, i32) {
    %c0_i32 = arith.constant 0 : i32
    %c0_i32_0 = arith.constant 0 : i32
    %c0_i32_1 = arith.constant 0 : i32
    return %c0_i32, %c0_i32_0 : i32, i32
  }
  func.func @transform_2(%arg0: i32) -> (i32, i32) {
    %c0_i32 = arith.constant 0 : i32
    %c0_i32_0 = arith.constant 0 : i32
    %c0_i32_1 = arith.constant 0 : i32
    return %c0_i32, %c0_i32_0 : i32, i32
  }
  func.func @transform_3(%arg0: i32) -> (i32, i32) {
    %c0_i32 = arith.constant 0 : i32
    %c0_i32_0 = arith.constant 0 : i32
    %c0_i32_1 = arith.constant 0 : i32
    return %c0_i32, %c0_i32_0 : i32, i32
  }
  func.func @transform_4(%arg0: i32) -> (i32, i32) {
    %c0_i32 = arith.constant 0 : i32
    %c0_i32_0 = arith.constant 0 : i32
    return %arg0, %c0_i32 : i32, i32
  }
}

module attributes {stable_mosaic.version = 14 : i64} {
  func.func @_combine_kernel(%arg0: i32, %arg1: memref<512x1024xf32, #tpu.memory_space<vmem>>, %arg2: memref<512x1024xf32, #tpu.memory_space<vmem>>, %arg3: memref<512x1024xf32, #tpu.memory_space<vmem>>, %arg4: memref<512x2xf32, #tpu.memory_space<vmem>>, %arg5: memref<512x1024xf32, #tpu.memory_space<vmem>>) attributes {dimension_semantics = [#tpu.dimension_semantics<arbitrary>], iteration_bounds = array<i64: 4>, scalar_prefetch = 0 : i64, scratch_operands = 0 : i64, tpu.core_type = #tpu.core_type<tc>, window_params = [{transform_indices = @transform_0, window_bounds = array<i64: 512, 1024>}, {transform_indices = @transform_1, window_bounds = array<i64: 512, 1024>}, {transform_indices = @transform_2, window_bounds = array<i64: 512, 1024>}, {transform_indices = @transform_3, window_bounds = array<i64: 512, 2>}, {transform_indices = @transform_4, window_bounds = array<i64: 512, 1024>}]} {
    %get3A = arith.constant 0 : index
    %get3A_0 = arith.constant 0 : index
    %get3A_1 = vector.load %arg4[%get3A, %get3A_0] : memref<512x2xf32, #tpu.memory_space<vmem>>, vector<512x2xf32>
    %get3A_2 = arith.constant 0 : index
    %get3A_3 = arith.constant 0 : index
    %get3A_4 = vector.load %arg1[%get3A_2, %get3A_3] : memref<512x1024xf32, #tpu.memory_space<vmem>>, vector<512x1024xf32>
    %slice3A = vector.extract_strided_slice %get3A_1 {offsets = [0, 0], sizes = [512, 1], strides = [1, 1]} : vector<512x2xf32> to vector<512x1xf32>
    %get3A_5 = arith.constant 0 : index
    %get3A_6 = arith.constant 0 : index
    %get3A_7 = vector.load %arg2[%get3A_5, %get3A_6] : memref<512x1024xf32, #tpu.memory_space<vmem>>, vector<512x1024xf32>
    %mul3A = vector.broadcast %slice3A : vector<512x1xf32> to vector<512x1024xf32>
    %mul3A_8 = arith.mulf %mul3A, %get3A_7 : vector<512x1024xf32>
    %add3A = arith.addf %get3A_4, %mul3A_8 : vector<512x1024xf32>
    %slice3A_9 = vector.extract_strided_slice %get3A_1 {offsets = [0, 1], sizes = [512, 1], strides = [1, 1]} : vector<512x2xf32> to vector<512x1xf32>
    %get3A_10 = arith.constant 0 : index
    %get3A_11 = arith.constant 0 : index
    %get3A_12 = vector.load %arg3[%get3A_10, %get3A_11] : memref<512x1024xf32, #tpu.memory_space<vmem>>, vector<512x1024xf32>
    %mul3A_13 = vector.broadcast %slice3A_9 : vector<512x1xf32> to vector<512x1024xf32>
    %mul3A_14 = arith.mulf %mul3A_13, %get3A_12 : vector<512x1024xf32>
    %add3A_15 = arith.addf %add3A, %mul3A_14 : vector<512x1024xf32>
    %swap3A = arith.constant 0 : index
    %swap3A_16 = arith.constant 0 : index
    %swap3A_17 = vector.load %arg5[%swap3A, %swap3A_16] : memref<512x1024xf32, #tpu.memory_space<vmem>>, vector<512x1024xf32>
    tpu.vector_store %arg5[%swap3A, %swap3A_16], %add3A_15 {strides = array<i32>} : memref<512x1024xf32, #tpu.memory_space<vmem>>, vector<512x1024xf32>,
    return
  }
  func.func @transform_0(%arg0: i32) -> (i32, i32) {
    %c0_i32 = arith.constant 0 : i32
    %c0_i32_0 = arith.constant 0 : i32
    return %arg0, %c0_i32 : i32, i32
  }
  func.func @transform_1(%arg0: i32) -> (i32, i32) {
    %c0_i32 = arith.constant 0 : i32
    %c0_i32_0 = arith.constant 0 : i32
    return %arg0, %c0_i32 : i32, i32
  }
  func.func @transform_2(%arg0: i32) -> (i32, i32) {
    %c0_i32 = arith.constant 0 : i32
    %c0_i32_0 = arith.constant 0 : i32
    return %arg0, %c0_i32 : i32, i32
  }
  func.func @transform_3(%arg0: i32) -> (i32, i32) {
    %c0_i32 = arith.constant 0 : i32
    %c0_i32_0 = arith.constant 0 : i32
    return %arg0, %c0_i32 : i32, i32
  }
  func.func @transform_4(%arg0: i32) -> (i32, i32) {
    %c0_i32 = arith.constant 0 : i32
    %c0_i32_0 = arith.constant 0 : i32
    return %arg0, %c0_i32 : i32, i32
  }
}

</mosaic_0001>

<sc_bundles>
// kernel: kernel.11.cloned.1.call-start
scs
__scs_entry_jumppad:
0x0: {  	(pc) =	sbr.rel $0x88, $3  }
0x1: {  	(tag) =	ssettag $0x0;
	lr =	simm.s32 $0x1  }
0x2: {  	[smem:$0x3F99] =	sst lr;
	_ =	strace $0xD0000000  }
0x3: {  	_ = 	snop  }
0x4: {  	_ = 	snop  }
0x5: {  	_ = 	snop  }
0x6: {  	_ = 	snop  }
0x7: {  	_ = 	snop  }
__scs_overlays_trampoline_lowered:
0x8: {  	[smem:$0x3FA8] =	sst s0  }
0x9: {  	[smem:$0x3FA9] =	sst s1  }
0xa: {  	[smem:$0x3FAA] =	sst s2  }
0xb: {  	[smem:$0x3FAB] =	sst s3  }
0xc: {  	[smem:$0x3FAC] =	sst s4  }
0xd: {  	[smem:$0x3FAD] =	sst s5  }
0xe: {  	[smem:$0x3FAE] =	sst s6  }
0xf: {  	[smem:$0x3FAF] =	sst s7  }
0x10: {  	[smem:$0x3FB0] =	sst s8  }
0x11: {  	[smem:$0x3FB1] =	sst s9;
	s0 =	simm.s32 @!p0 $0x0  }
0x12: {  	s1 =	sld [smem:$0x3F97];
	s0 =	simm.s32 @p0 $0x1  }
0x13: {  	[smem:$0x3FB2] =	sst s0;
	s0 =	simm.s32 @!p1 $0x0  }
0x14: {  	s2 =	sld [smem:$0x3F96];
	s0 =	simm.s32 @p1 $0x1  }
0x15: {  	[smem:$0x3FB3] =	sst s0;
	s0 =	simm.s32 @!p2 $0x0  }
0x16: {  	s3 =	sld [smem:$0x3FDB];
	s0 =	simm.s32 @p2 $0x1  }
0x17: {  	s4 =	simm.s32 $0x1BF5;
	[smem:$0x3FB5] =	sst s0  }
0x18: {  	s0 =	sld [smem:$0x3F98];
	_ =	swait.ge [sflag:s4], $0x0  }
0x19: {  	s7 =	sld [smem:$0x3F99]  }
0x1a: {  	s8 =	sadd.s32 $0xFFFFE003, lr  }
0x1b: {  	s9 =	sadd.s32 $0xFFFFFEF7, lr;
	s5 =	simm.s32 $0xFFFFFFFF;
	p2 =	slt.u32 s8, $0xFFFFF086  }
0x1c: {  	p1 =	slt.u32 s9, $0xF7A;
	s5 =	simm.s32 @!p2 $0x0  }
0x1d: {  	s5 =	simm.s32 @p1 $0x1;
	p0 =	seq.s32 s7, s2  }
0x1e: {  	s7 =	smul.u32 @!p0 $0xF7A, s2;
	p2 =	seq.s32 @!p0 s5, $0x0  }
0x1f: {  	s9 =	smul.u32 $0xF7A, s1;
	s8 =	simm.s32 @!p0 $0x1BF5;
	p2 =	por !p2, p0  }
0x20: {  	[sflag:s8] =	ssyncset.s32 @!p0 $0xFFFFF086;
	s6 =	sadd.s32 @!p0 s3, s7;
	s7 =	simm.s32 @!p0 $0x108  }
0x21: {  	s3 =	sadd.s32 s3, s9;
	s6 =	sadd.s32 @!p0 $0x88, s6;
	s7 =	simm.s32 @p2 $0x1082  }
0x22: {  	[simem:s7], [sflag:s8] =	dma.local @!p0 [hbm:s6], $0xF7A  }
0x23: {  	s9 =	sor.u32 $0xD0000000, s2;
	s6 =	simm.s32 $0x108;
	_ =	swait.ge @!p0 [sflag:s8], $0x0  }
0x24: {  	s3 =	sadd.s32 $0x88, s3;
	s6 =	simm.s32 @!p1 $0x1082;
	[sflag:s4] =	ssyncset.s32 $0xFFFFF086  }
0x25: {  	[simem:s6], [sflag:s4] =	dma.local [hbm:s3], $0xF7A  }
0x26: {  	[smem:$0x3F99] =	sst s1;
	(tag) =	ssettag s2;
	_ =	strace s9  }
0x27: {  	s1 =	sld [smem:$0x3FA9]  }
0x28: {  	s2 =	sld [smem:$0x3FAA]  }
0x29: {  	s4 =	sld [smem:$0x3FAC]  }
0x2a: {  	p0 =	seq.s32 s5, $0x0;
	s5 =	sld [smem:$0x3FAD]  }
0x2b: {  	s6 =	sld [smem:$0x3FAE]  }
0x2c: {  	s7 =	sld [smem:$0x3FAF]  }
0x2d: {  	s3 =	simm.s32 $0x108;
	s8 =	sld [smem:$0x3FB0]  }
0x2e: {  	s3 =	simm.s32 @!p0 $0x1082;
	s9 =	sld [smem:$0x3FB1]  }
0x2f: {  	lr =	sadd.s32 s0, s3;
	s0 =	sld [smem:$0x3FA8]  }
0x30: {  	s3 =	sld [smem:$0x3FAB]  }
0x31: {  	[smem:$0x3FB4] =	sst s10  }
0x32: {  	s10 =	sld [smem:$0x3FB2];
	_ =	sdelay $0x3  }
0x33: {  	p0 =	seq.s32 s10, $0x1;
	s10 =	sld [smem:$0x3FB4];
	_ =	sdelay $0x3  }
0x34: {  	[smem:$0x3FB4] =	sst s10  }
0x35: {  	s10 =	sld [smem:$0x3FB3];
	_ =	sdelay $0x3  }
0x36: {  	p1 =	seq.s32 s10, $0x1;
	s10 =	sld [smem:$0x3FB4];
	_ =	sdelay $0x3  }
0x37: {  	[smem:$0x3FB4] =	sst s10  }
0x38: {  	s10 =	sld [smem:$0x3FB5]  }
0x39: {  	_ = 	snop;
	(pc) =	sbr.ind lr, $3  }
0x3a: {  	_ = 	snop  }
0x3b: {  	_ = 	snop  }
0x3c: {  	p2 =	seq.s32 s10, $0x1;
	s10 =	sld [smem:$0x3FB4]  }
0x3d: {  	_ =	shalt  }
0x3e: {  	_ =	shalt  }
0x3f: {  	_ =	shalt  }
0x40: {  	_ =	shalt  }
0x41: {  	_ =	shalt  }
0x42: {  	_ =	shalt  }
0x43: {  	_ =	shalt  }
0x44: {  	_ =	shalt  }
0x45: {  	_ =	shalt  }
0x46: {  	_ =	shalt  }
0x47: {  	_ =	shalt  }
0x48: {  	_ =	shalt  }
0x49: {  	_ =	shalt  }
0x4a: {  	_ =	shalt  }
0x4b: {  	_ =	shalt  }
0x4c: {  	_ =	shalt  }
0x4d: {  	_ =	shalt  }
0x4e: {  	_ =	shalt  }
0x4f: {  	_ =	shalt  }
0x50: {  	_ =	shalt  }
0x51: {  	_ =	shalt  }
0x52: {  	_ =	shalt  }
0x53: {  	_ =	shalt  }
0x54: {  	_ =	shalt  }
0x55: {  	_ =	shalt  }
0x56: {  	_ =	shalt  }
0x57: {  	_ =	shalt  }
0x58: {  	_ =	shalt  }
0x59: {  	_ =	shalt  }
0x5a: {  	_ =	shalt  }
0x5b: {  	_ =	shalt  }
0x5c: {  	_ =	shalt  }
0x5d: {  	_ =	shalt  }
0x5e: {  	_ =	shalt  }
0x5f: {  	_ =	shalt  }
0x60: {  	_ =	shalt  }
0x61: {  	_ =	shalt  }
0x62: {  	_ =	shalt  }
0x63: {  	_ =	shalt  }
0x64: {  	_ =	shalt  }
0x65: {  	_ =	shalt  }
0x66: {  	_ =	shalt  }
0x67: {  	_ =	shalt  }
0x68: {  	_ =	shalt  }
0x69: {  	_ =	shalt  }
0x6a: {  	_ =	shalt  }
0x6b: {  	_ =	shalt  }
0x6c: {  	_ =	shalt  }
0x6d: {  	_ =	shalt  }
0x6e: {  	_ =	shalt  }
0x6f: {  	_ =	shalt  }
0x70: {  	_ =	shalt  }
0x71: {  	_ =	shalt  }
0x72: {  	_ =	shalt  }
0x73: {  	_ =	shalt  }
0x74: {  	_ =	shalt  }
0x75: {  	_ =	shalt  }
0x76: {  	_ =	shalt  }
0x77: {  	_ =	shalt  }
0x78: {  	_ =	shalt  }
0x79: {  	_ =	shalt  }
0x7a: {  	_ =	shalt  }
0x7b: {  	_ =	shalt  }
0x7c: {  	_ =	shalt  }
0x7d: {  	_ =	shalt  }
0x7e: {  	_ =	shalt  }
0x7f: {  	_ =	shalt  }
0x80: {  	_ =	shalt  }
0x81: {  	_ =	shalt  }
0x82: {  	_ =	shalt  }
0x83: {  	_ =	shalt  }
0x84: {  	_ =	shalt  }
0x85: {  	_ =	shalt  }
0x86: {  	_ =	shalt  }
0x87: {  	_ =	shalt  }
.Lfunc_end0:
.L_simem_size_0:
called_computation.1_lowered:
.L_overlay_start_0:
0x88: {  	s2 =	sld [smem:$0x3FD9]  }
0x89: {  	s3 =	sld [smem:$0x3FFE];
	_ =	sdelay $0x1  }
0x8a: {  	s1 =	srdreg.scid  }
0x8b: {  	s0 =	sand.u32 $0x1, s1  }
0x8c: {  	s17 =	sshll.u32 s0, $0xA;
	s2 =	sadd.s32 s3, s2  }
0x8d: {  	s2 =	sadd.s32 s2, s17  }
0x8e: {  	[smem:$0x3FC0] =	sst s2  }
0x8f: {  	_ = 	snop  }
0x90: {  	s2 =	sld [smem:$0x3FD0];
	(tm) =	ssettm $0x1  }
0x91: {  	s18 =	sld [smem:$0x3FFB];
	_ =	sdelay $0x3  }
0x92: {  	_ =	strace s18  }
0x93: {  	s3 =	sld [smem:$0x3FFC];
	_ =	sdelay $0x3  }
0x94: {  	_ =	strace s3  }
0x95: {  	s3 =	sld [smem:$0x3FFD];
	_ =	sdelay $0x3  }
0x96: {  	_ =	strace s3  }
0x97: {  	_ =	strace $0x8FFFFFFF  }
0x98: {  	s19 =	sld [smem:$0x3FDB];
	_ =	sdelay $0x1  }
0x99: {  	s4 =	simm.s32 $_scs_section_size  }
0x9a: {  	s5 =	simm.s32 $_size__tile_overlayer_lowered;
	s6 =	simm.s32 $_tile_overlayer_lowered  }
0x9b: {  	s22 =	simm.s32 $0x1BFF;
	s21 =	sshll.u32 s6, $0x1;
	s3 =	sadd.s32 s4, s19  }
0x9c: {  	s7 =	simm.s32 $0x0;
	s20 =	sshll.u32 s5, $0x1;
	s5 =	sadd.s32 s21, s3  }
0x9d: {  	[timem:s7], [sflag:s22] =	dma.local [hbm:s5], s20  }
0x9e: {  	_ =	swait.ge [sflag:s22], s20  }
0x9f: {  	s4 =	ssub.s32 $0x0, s20;
	[sflag:s22] =	ssyncset.done $0x0  }
0xa0: {  	[sflag:s22] =	ssyncadd.s32 s4;
	_ =	sdelay $0x1  }
0xa1: {  	s23 =	simm.s32 $0x1B8B  }
0xa2: {  	_ =	swait.ge [sflag:s23], $0x1  }
0xa3: {  	[sflag:s23] =	ssyncset.done $0x0  }
0xa4: {  	s25 =	simm.s32 $0x1B8E;
	s24 =	sld [smem:$0x3FFE];
	[sflag:s23] =	ssyncadd.s32 $0xFFFFFFFF  }
0xa5: {  	s26 =	simm.s32 $execute0_lowered;
	[smem:$0x3FD2] =	sst s25  }
0xa6: {  	s5 =	sshll.u32 s26, $0x1;
	_ =	strace $0x80000049;
	[dreg:$0x1] =	wrdreg $0xFFFFFFFF  }
0xa7: {  	s28 =	simm.s32 $_size_execute0_lowered;
	s3 =	sadd.s32 s3, s5;
	[dreg:$0x0] =	wrdreg $0x0  }
0xa8: {  	s5 =	sshll.u32 s28, $0x1;
	[dreg:$0x2] =	wrdreg s3  }
0xa9: {  	[dreg:$0x3] =	wrdreg s5  }
0xaa: {  	[dreg:$0x4] =	wrdreg $0xC0  }
0xab: {  	_ =	task [dreg:s7], $0x5FFFF  }
0xac: {  	[dreg:$0x1] =	wrdreg $0xFFFFFFFF  }
0xad: {  	[dreg:$0x0] =	wrdreg $0x60  }
0xae: {  	[dreg:$0x2] =	wrdreg s24  }
0xaf: {  	[dreg:$0x3] =	wrdreg s2  }
0xb0: {  	[dreg:$0x4] =	wrdreg $0x9  }
0xb1: {  	_ =	task.clear_ibuf [dreg:s7], $0x5FFFF;
	_ =	strace $0x90000049  }
0xb2: {  	s29 =	simm.s32 $0x9;
	_ =	strace $0x8000004B  }
0xb3: {  	_ =	swait.ge [sflag:s29], $0x1  }
0xb4: {  	[sflag:s29] =	ssyncadd.s32 $0xFFFFFFFF  }
0xb5: {  	_ =	strace $0x9000004B  }
0xb6: {  	_ =	sfence  }
0xb7: {  	s30 =	sld [smem:$0x0];
	_ =	sdelay $0x2  }
0xb8: {  	s31 =	sshll.u32 s1, $0xD;
	s1 =	sshrl.u32 s1, $0x2  }
0xb9: {  	s3 =	sand.u32 $0x4000, s31;
	s1 =	sadd.s32 s1, s30  }
0xba: {  	s0 =	sor.u32 s3, s0;
	s1 =	sshll.u32 s1, $0x11  }
0xbb: {  	s0 =	sor.u32 s1, s0  }
0xbc: {  	s0 =	sadd.s32 $0x8F2B, s0  }
0xbd: {  	[sflag:s0] =	ssyncadd.remote.s32 $0x1  }
0xbe: {  	_ =	sfence.sel $0xFFFF  }
0xbf: {  	[dreg:$0x0] =	wrdreg $0xFFFFFFFF;
	(pc) =	sbr.abs _section_cstart, $3  }
0xc0: {  	[dreg:$0x1] =	wrdreg $0xFFFFFFFF  }
0xc1: {  	_ =	task.clear_ibuf [dreg:s7], $0x2FFFF;
	_ =	strace $0x9FFFFFFF  }
0xc2: {  	(tm) =	ssettm $0x7FFFFFFF  }
0xc3: {  	_ =	shalt  }
tec
execute0_lowered:
.L_overlay_start_1:
0x0: {  	(tag) =	ssettag $0x1  }
0x1: {  	s0 =	rddreg [dreg:$0x0]  }
0x2: {  	s1 =	rddreg [dreg:$0x1];
	s3 =	srdreg.scid  }
0x3: {  	s2 =	simm.s32 $0x0;
	s5 =	stileid.u32;
	s18 =	simm.s32 $0x1  }
0x4: {  	s20 =	simm.s32 $0x880;
	s21 =	simm.s32 $0x1080;
	s28 =	simm.s32 $0x4080  }
0x5: {  	s29 =	simm.s32 $0x4880;
	s30 =	simm.s32 $0x5080;
	s31 =	simm.s32 $0x5880  }
0x6: {  	s10 =	simm.s32 $0x7080;
	s11 =	simm.s32 $0x7880;
	s12 =	simm.s32 $0x8080  }
0x7: {  	s13 =	simm.s32 $0x8880;
	s14 =	simm.s32 $0x9080;
	s15 =	simm.s32 $0x9880  }
0x8: {  	s16 =	simm.s32 $0xA080;
	s17 =	simm.s32 $0xA880;
	s9 =	simm.s32 $0xB080  }
0x9: {  	s4 =	sand.u32 $0x1, s3;
	[smem:$0x7FF] =	sst s2;
	s22 =	sshll.u32 s5, $0x7  }
0xa: {  	s3 =	sadd.s32 $0xC1C00, s0;
	s23 =	sshll.u32 s4, $0x6;
	s4 =	ssub.s32 $0x2, s4  }
0xb: {  	_ =	strace $0x8000004A;
	s5 =	sor.u32 s23, s22;
	s7 =	sshrl.u32 s4, $0x1  }
0xc: {  	s22 =	simm.s32 $0x1880;
	s23 =	simm.s32 $0x2080;
	s6 =	sshrl.u32 s5, $0x3  }
0xd: {  	s5 =	sshll.u32 s5, $0x7;
	s7 =	ssub.s32 s4, s7;
	s4 =	sadd.s32 $0xC1D00, s0  }
0xe: {  	s6 =	sadd.s32 s6, s0;
	s8 =	sadd.s32 s5, s0;
	s1 =	sadd.s32 s1, s5  }
0xf: {  	s5 =	sadd.s32 $0xC1E00, s0;
	s24 =	sadd.s32 $0x1400, s6;
	[dreg:$0x4] =	wrdreg s1  }
0x10: {  	s7 =	smax.u32 s7, $0x1;
	s25 =	sadd.s32 $0x1600, s6;
	[dreg:$0x3] =	wrdreg s24  }
0x11: {  	v2 =	vlaneseq.u32;
	s6 =	sadd.s32 $0xC1F00, s0;
	s26 =	sadd.s32 $0x1800, s8;
	[dreg:$0x5] =	wrdreg s25  }
0x12: {  	vm0 =	vmmov $0xffff;
	v1 =	vshrl.u32 v2, $0x3;
	s8 =	simm.s32 $0x2;
	s0 =	simm.s32 $0x80;
	[dreg:$0x6] =	wrdreg s26  }
0x13: {  	v0 =	vand.u32 $0x7, v2;
	v2 =	vor.u32 $0x8, v2;
	v1 =	vmul.u32 $0x8, v1;
	s24 =	simm.s32 $0x2880;
	s25 =	simm.s32 $0x3080;
	s26 =	simm.s32 $0x3880  }
.LBB2_1:
0x14: {  	s19 =	rddreg [dreg:$0x3]  }
0x15: {  	[tilespmem:s2], [sflag:$0x2] =	stream.linear.gather [hbm4b:s19+s2], $0x40, $0x38;
	[tilespmem:$0x10080] =	vst v63  }
0x16: {  	_ =	swait.ge [sflag:s8], $0x40  }
0x17: {  	[sflag:s8] =	ssyncset.done $0x0  }
0x18: {  	[sflag:s8] =	ssyncadd.s32 $0xFFFFFFC0  }
0x19: {  	v3 =	vld [tilespmem:$0x0];
	_ =	sdelay $0x4  }
0x1a: {  	v4 =	vshll.u32 v3, $0x3  }
0x1b: {  	v3 =	vand.u32 $0x7, v3;
	v4 =	vand.u32 $0xFFFFFFC0, v4  }
0x1c: {  	v3 =	vor.u32 v3, v4  }
0x1d: {  	v4 =	vperm.xlane v3, v0;
	_ =	sdelay $0x1  }
0x1e: {  	v4 =	vadd.s32 v1, v4;
	_ =	sdelay $0x4  }
0x1f: {  	[tilespmem:s0], [sflag:$0x1] =	stream.indirect_vreg.gather [hbm4b:s3+s2], $0x80, v4, vm0, $0xb8;
	[tilespmem:$0x10080] =	vst v63  }
0x20: {  	v3 =	vperm.xlane v3, v2  }
0x21: {  	[tilespmem:s20], [sflag:$0x1] =	stream.indirect_vreg.gather [hbm4b:s4+s2], $0x80, v4, vm0, $0xb8;
	[tilespmem:$0x10080] =	vst v63  }
0x22: {  	v3 =	vadd.s32 v1, v3  }
0x23: {  	[tilespmem:s21], [sflag:$0x1] =	stream.indirect_vreg.gather [hbm4b:s5+s2], $0x80, v4, vm0, $0xb8;
	[tilespmem:$0x10080] =	vst v63  }
0x24: {  	_ = 	snop  }
0x25: {  	[tilespmem:s22], [sflag:$0x1] =	stream.indirect_vreg.gather [hbm4b:s6+s2], $0x80, v4, vm0, $0xb8;
	[tilespmem:$0x10080] =	vst v63  }
0x26: {  	_ = 	snop  }
0x27: {  	[tilespmem:s23], [sflag:$0x1] =	stream.indirect_vreg.gather [hbm4b:s3+s2], $0x80, v3, vm0, $0xb8;
	[tilespmem:$0x10080] =	vst v63  }
0x28: {  	_ = 	snop  }
0x29: {  	[tilespmem:s24], [sflag:$0x1] =	stream.indirect_vreg.gather [hbm4b:s4+s2], $0x80, v3, vm0, $0xb8;
	[tilespmem:$0x10080] =	vst v63  }
0x2a: {  	_ = 	snop  }
0x2b: {  	[tilespmem:s25], [sflag:$0x1] =	stream.indirect_vreg.gather [hbm4b:s5+s2], $0x80, v3, vm0, $0xb8;
	[tilespmem:$0x10080] =	vst v63  }
0x2c: {  	_ = 	snop  }
0x2d: {  	[tilespmem:s26], [sflag:$0x1] =	stream.indirect_vreg.gather [hbm4b:s6+s2], $0x80, v3, vm0, $0xb8;
	[tilespmem:$0x10080] =	vst v63  }
0x2e: {  	v3 =	vld [tilespmem:$0x10];
	_ =	sdelay $0x4  }
0x2f: {  	v57 =	vshll.u32 v3, $0x3  }
0x30: {  	v3 =	vand.u32 $0x7, v3;
	v4 =	vand.u32 $0xFFFFFFC0, v57  }
0x31: {  	v3 =	vor.u32 v3, v4  }
0x32: {  	v4 =	vperm.xlane v3, v0;
	_ =	sdelay $0x1  }
0x33: {  	v4 =	vadd.s32 v1, v4;
	_ =	sdelay $0x4  }
0x34: {  	[tilespmem:s28], [sflag:$0x1] =	stream.indirect_vreg.gather [hbm4b:s3+s2], $0x80, v4, vm0, $0xb8;
	[tilespmem:$0x10080] =	vst v63  }
0x35: {  	v3 =	vperm.xlane v3, v2  }
0x36: {  	[tilespmem:s29], [sflag:$0x1] =	stream.indirect_vreg.gather [hbm4b:s4+s2], $0x80, v4, vm0, $0xb8;
	[tilespmem:$0x10080] =	vst v63  }
0x37: {  	v3 =	vadd.s32 v1, v3  }
0x38: {  	[tilespmem:s30], [sflag:$0x1] =	stream.indirect_vreg.gather [hbm4b:s5+s2], $0x80, v4, vm0, $0xb8;
	[tilespmem:$0x10080] =	vst v63  }
0x39: {  	_ = 	snop  }
0x3a: {  	[tilespmem:s31], [sflag:$0x1] =	stream.indirect_vreg.gather [hbm4b:s6+s2], $0x80, v4, vm0, $0xb8;
	[tilespmem:$0x10080] =	vst v63  }
0x3b: {  	s1 =	simm.s32 $0x6080  }
0x3c: {  	[tilespmem:s1], [sflag:$0x1] =	stream.indirect_vreg.gather [hbm4b:s3+s2], $0x80, v3, vm0, $0xb8;
	[tilespmem:$0x10080] =	vst v63  }
0x3d: {  	s1 =	simm.s32 $0x6880  }
0x3e: {  	[tilespmem:s1], [sflag:$0x1] =	stream.indirect_vreg.gather [hbm4b:s4+s2], $0x80, v3, vm0, $0xb8;
	[tilespmem:$0x10080] =	vst v63  }
0x3f: {  	_ = 	snop  }
0x40: {  	[tilespmem:s10], [sflag:$0x1] =	stream.indirect_vreg.gather [hbm4b:s5+s2], $0x80, v3, vm0, $0xb8;
	[tilespmem:$0x10080] =	vst v63  }
0x41: {  	_ = 	snop  }
0x42: {  	[tilespmem:s11], [sflag:$0x1] =	stream.indirect_vreg.gather [hbm4b:s6+s2], $0x80, v3, vm0, $0xb8;
	[tilespmem:$0x10080] =	vst v63  }
0x43: {  	v3 =	vld [tilespmem:$0x20];
	_ =	sdelay $0x4  }
0x44: {  	v58 =	vshll.u32 v3, $0x3  }
0x45: {  	v3 =	vand.u32 $0x7, v3;
	v4 =	vand.u32 $0xFFFFFFC0, v58  }
0x46: {  	v3 =	vor.u32 v3, v4  }
0x47: {  	v4 =	vperm.xlane v3, v0;
	_ =	sdelay $0x1  }
0x48: {  	v4 =	vadd.s32 v1, v4;
	_ =	sdelay $0x4  }
0x49: {  	[tilespmem:s12], [sflag:$0x1] =	stream.indirect_vreg.gather [hbm4b:s3+s2], $0x80, v4, vm0, $0xb8;
	[tilespmem:$0x10080] =	vst v63  }
0x4a: {  	v3 =	vperm.xlane v3, v2  }
0x4b: {  	[tilespmem:s13], [sflag:$0x1] =	stream.indirect_vreg.gather [hbm4b:s4+s2], $0x80, v4, vm0, $0xb8;
	[tilespmem:$0x10080] =	vst v63  }
0x4c: {  	v3 =	vadd.s32 v1, v3  }
0x4d: {  	[tilespmem:s14], [sflag:$0x1] =	stream.indirect_vreg.gather [hbm4b:s5+s2], $0x80, v4, vm0, $0xb8;
	[tilespmem:$0x10080] =	vst v63  }
0x4e: {  	_ = 	snop  }
0x4f: {  	[tilespmem:s15], [sflag:$0x1] =	stream.indirect_vreg.gather [hbm4b:s6+s2], $0x80, v4, vm0, $0xb8;
	[tilespmem:$0x10080] =	vst v63  }
0x50: {  	_ = 	snop  }
0x51: {  	[tilespmem:s16], [sflag:$0x1] =	stream.indirect_vreg.gather [hbm4b:s3+s2], $0x80, v3, vm0, $0xb8;
	[tilespmem:$0x10080] =	vst v63  }
0x52: {  	_ = 	snop  }
0x53: {  	[tilespmem:s17], [sflag:$0x1] =	stream.indirect_vreg.gather [hbm4b:s4+s2], $0x80, v3, vm0, $0xb8;
	[tilespmem:$0x10080] =	vst v63  }
0x54: {  	_ = 	snop  }
0x55: {  	[tilespmem:s9], [sflag:$0x1] =	stream.indirect_vreg.gather [hbm4b:s5+s2], $0x80, v3, vm0, $0xb8;
	[tilespmem:$0x10080] =	vst v63  }
0x56: {  	s19 =	simm.s32 $0xB880  }
0x57: {  	[tilespmem:s19], [sflag:$0x1] =	stream.indirect_vreg.gather [hbm4b:s6+s2], $0x80, v3, vm0, $0xb8;
	[tilespmem:$0x10080] =	vst v63  }
0x58: {  	v3 =	vld [tilespmem:$0x30];
	_ =	sdelay $0x4  }
0x59: {  	v59 =	vshll.u32 v3, $0x3  }
0x5a: {  	v3 =	vand.u32 $0x7, v3;
	v4 =	vand.u32 $0xFFFFFFC0, v59  }
0x5b: {  	v3 =	vor.u32 v3, v4  }
0x5c: {  	v4 =	vperm.xlane v3, v0;
	_ =	sdelay $0x1  }
0x5d: {  	v4 =	vadd.s32 v1, v4;
	_ =	sdelay $0x3  }
0x5e: {  	s19 =	simm.s32 $0xC080  }
0x5f: {  	[tilespmem:s19], [sflag:$0x1] =	stream.indirect_vreg.gather [hbm4b:s3+s2], $0x80, v4, vm0, $0xb8;
	[tilespmem:$0x10080] =	vst v63  }
0x60: {  	v3 =	vperm.xlane v3, v2;
	s19 =	simm.s32 $0xC880  }
0x61: {  	[tilespmem:s19], [sflag:$0x1] =	stream.indirect_vreg.gather [hbm4b:s4+s2], $0x80, v4, vm0, $0xb8;
	[tilespmem:$0x10080] =	vst v63  }
0x62: {  	v3 =	vadd.s32 v1, v3;
	s19 =	simm.s32 $0xD080  }
0x63: {  	[tilespmem:s19], [sflag:$0x1] =	stream.indirect_vreg.gather [hbm4b:s5+s2], $0x80, v4, vm0, $0xb8;
	[tilespmem:$0x10080] =	vst v63  }
0x64: {  	s19 =	simm.s32 $0xD880  }
0x65: {  	[tilespmem:s19], [sflag:$0x1] =	stream.indirect_vreg.gather [hbm4b:s6+s2], $0x80, v4, vm0, $0xb8;
	[tilespmem:$0x10080] =	vst v63  }
0x66: {  	s19 =	simm.s32 $0xE080  }
0x67: {  	[tilespmem:s19], [sflag:$0x1] =	stream.indirect_vreg.gather [hbm4b:s3+s2], $0x80, v3, vm0, $0xb8;
	[tilespmem:$0x10080] =	vst v63  }
0x68: {  	s19 =	simm.s32 $0xE880  }
0x69: {  	[tilespmem:s19], [sflag:$0x1] =	stream.indirect_vreg.gather [hbm4b:s4+s2], $0x80, v3, vm0, $0xb8;
	[tilespmem:$0x10080] =	vst v63  }
0x6a: {  	s19 =	simm.s32 $0xF080  }
0x6b: {  	[tilespmem:s19], [sflag:$0x1] =	stream.indirect_vreg.gather [hbm4b:s5+s2], $0x80, v3, vm0, $0xb8;
	[tilespmem:$0x10080] =	vst v63  }
0x6c: {  	s19 =	simm.s32 $0xF880  }
0x6d: {  	[tilespmem:s19], [sflag:$0x1] =	stream.indirect_vreg.gather [hbm4b:s6+s2], $0x80, v3, vm0, $0xb8;
	[tilespmem:$0x10080] =	vst v63  }
0x6e: {  	_ =	swait.ge [sflag:s18], $0x10000  }
0x6f: {  	[sflag:s18] =	ssyncset.done $0x0  }
0x70: {  	s19 =	rddreg [dreg:$0x4];
	[sflag:s18] =	ssyncadd.s32 $0xFFFF0000  }
0x71: {  	[hbm4b:s19+s2] =	stream.linear.scatter [tilespmem:s0], [sflag:$0x2], $0x10000, $0x38;
	[tilespmem:$0x10080] =	vst v63  }
0x72: {  	_ =	swait.ge [sflag:s8], $0x10000  }
0x73: {  	[sflag:s8] =	ssyncset.done $0x0  }
0x74: {  	s19 =	rddreg [dreg:$0x5];
	[sflag:s8] =	ssyncadd.s32 $0xFFFF0000  }
0x75: {  	[tilespmem:s2], [sflag:$0x2] =	stream.linear.gather [hbm4b:s19+s2], $0x40, $0x38;
	[tilespmem:$0x10080] =	vst v63  }
0x76: {  	_ =	swait.ge [sflag:s8], $0x40  }
0x77: {  	[sflag:s8] =	ssyncset.done $0x0  }
0x78: {  	[sflag:s8] =	ssyncadd.s32 $0xFFFFFFC0  }
0x79: {  	v3 =	vld [tilespmem:$0x0];
	_ =	sdelay $0x4  }
0x7a: {  	v60 =	vshll.u32 v3, $0x3  }
0x7b: {  	v3 =	vand.u32 $0x7, v3;
	v4 =	vand.u32 $0xFFFFFFC0, v60  }
0x7c: {  	v3 =	vor.u32 v3, v4  }
0x7d: {  	v4 =	vperm.xlane v3, v0;
	_ =	sdelay $0x1  }
0x7e: {  	v4 =	vadd.s32 v1, v4;
	_ =	sdelay $0x4  }
0x7f: {  	[tilespmem:s0], [sflag:$0x1] =	stream.indirect_vreg.gather [hbm4b:s3+s2], $0x80, v4, vm0, $0xb8;
	[tilespmem:$0x10080] =	vst v63  }
0x80: {  	v3 =	vperm.xlane v3, v2  }
0x81: {  	[tilespmem:s20], [sflag:$0x1] =	stream.indirect_vreg.gather [hbm4b:s4+s2], $0x80, v4, vm0, $0xb8;
	[tilespmem:$0x10080] =	vst v63  }
0x82: {  	v3 =	vadd.s32 v1, v3  }
0x83: {  	[tilespmem:s21], [sflag:$0x1] =	stream.indirect_vreg.gather [hbm4b:s5+s2], $0x80, v4, vm0, $0xb8;
	[tilespmem:$0x10080] =	vst v63  }
0x84: {  	_ = 	snop  }
0x85: {  	[tilespmem:s22], [sflag:$0x1] =	stream.indirect_vreg.gather [hbm4b:s6+s2], $0x80, v4, vm0, $0xb8;
	[tilespmem:$0x10080] =	vst v63  }
0x86: {  	_ = 	snop  }
0x87: {  	[tilespmem:s23], [sflag:$0x1] =	stream.indirect_vreg.gather [hbm4b:s3+s2], $0x80, v3, vm0, $0xb8;
	[tilespmem:$0x10080] =	vst v63  }
0x88: {  	_ = 	snop  }
0x89: {  	[tilespmem:s24], [sflag:$0x1] =	stream.indirect_vreg.gather [hbm4b:s4+s2], $0x80, v3, vm0, $0xb8;
	[tilespmem:$0x10080] =	vst v63  }
0x8a: {  	_ = 	snop  }
0x8b: {  	[tilespmem:s25], [sflag:$0x1] =	stream.indirect_vreg.gather [hbm4b:s5+s2], $0x80, v3, vm0, $0xb8;
	[tilespmem:$0x10080] =	vst v63  }
0x8c: {  	_ = 	snop  }
0x8d: {  	[tilespmem:s26], [sflag:$0x1] =	stream.indirect_vreg.gather [hbm4b:s6+s2], $0x80, v3, vm0, $0xb8;
	[tilespmem:$0x10080] =	vst v63  }
0x8e: {  	v3 =	vld [tilespmem:$0x10];
	_ =	sdelay $0x4  }
0x8f: {  	v61 =	vshll.u32 v3, $0x3  }
0x90: {  	v3 =	vand.u32 $0x7, v3;
	v4 =	vand.u32 $0xFFFFFFC0, v61  }
0x91: {  	v3 =	vor.u32 v3, v4  }
0x92: {  	v4 =	vperm.xlane v3, v0;
	_ =	sdelay $0x1  }
0x93: {  	v4 =	vadd.s32 v1, v4;
	_ =	sdelay $0x4  }
0x94: {  	[tilespmem:s28], [sflag:$0x1] =	stream.indirect_vreg.gather [hbm4b:s3+s2], $0x80, v4, vm0, $0xb8;
	[tilespmem:$0x10080] =	vst v63  }
0x95: {  	v3 =	vperm.xlane v3, v2  }
0x96: {  	[tilespmem:s29], [sflag:$0x1] =	stream.indirect_vreg.gather [hbm4b:s4+s2], $0x80, v4, vm0, $0xb8;
	[tilespmem:$0x10080] =	vst v63  }
0x97: {  	v3 =	vadd.s32 v1, v3  }
0x98: {  	[tilespmem:s30], [sflag:$0x1] =	stream.indirect_vreg.gather [hbm4b:s5+s2], $0x80, v4, vm0, $0xb8;
	[tilespmem:$0x10080] =	vst v63  }
0x99: {  	_ = 	snop  }
0x9a: {  	[tilespmem:s31], [sflag:$0x1] =	stream.indirect_vreg.gather [hbm4b:s6+s2], $0x80, v4, vm0, $0xb8;
	[tilespmem:$0x10080] =	vst v63  }
0x9b: {  	s19 =	simm.s32 $0x6080  }
0x9c: {  	[tilespmem:s19], [sflag:$0x1] =	stream.indirect_vreg.gather [hbm4b:s3+s2], $0x80, v3, vm0, $0xb8;
	[tilespmem:$0x10080] =	vst v63  }
0x9d: {  	_ = 	snop  }
0x9e: {  	[tilespmem:s1], [sflag:$0x1] =	stream.indirect_vreg.gather [hbm4b:s4+s2], $0x80, v3, vm0, $0xb8;
	[tilespmem:$0x10080] =	vst v63  }
0x9f: {  	_ = 	snop  }
0xa0: {  	[tilespmem:s10], [sflag:$0x1] =	stream.indirect_vreg.gather [hbm4b:s5+s2], $0x80, v3, vm0, $0xb8;
	[tilespmem:$0x10080] =	vst v63  }
0xa1: {  	_ = 	snop  }
0xa2: {  	[tilespmem:s11], [sflag:$0x1] =	stream.indirect_vreg.gather [hbm4b:s6+s2], $0x80, v3, vm0, $0xb8;
	[tilespmem:$0x10080] =	vst v63  }
0xa3: {  	v3 =	vld [tilespmem:$0x20];
	_ =	sdelay $0x4  }
0xa4: {  	v62 =	vshll.u32 v3, $0x3  }
0xa5: {  	v3 =	vand.u32 $0x7, v3;
	v4 =	vand.u32 $0xFFFFFFC0, v62  }
0xa6: {  	v3 =	vor.u32 v3, v4  }
0xa7: {  	v4 =	vperm.xlane v3, v0;
	_ =	sdelay $0x1  }
0xa8: {  	v4 =	vadd.s32 v1, v4;
	_ =	sdelay $0x4  }
0xa9: {  	[tilespmem:s12], [sflag:$0x1] =	stream.indirect_vreg.gather [hbm4b:s3+s2], $0x80, v4, vm0, $0xb8;
	[tilespmem:$0x10080] =	vst v63  }
0xaa: {  	v3 =	vperm.xlane v3, v2  }
0xab: {  	[tilespmem:s13], [sflag:$0x1] =	stream.indirect_vreg.gather [hbm4b:s4+s2], $0x80, v4, vm0, $0xb8;
	[tilespmem:$0x10080] =	vst v63  }
0xac: {  	v3 =	vadd.s32 v1, v3  }
0xad: {  	[tilespmem:s14], [sflag:$0x1] =	stream.indirect_vreg.gather [hbm4b:s5+s2], $0x80, v4, vm0, $0xb8;
	[tilespmem:$0x10080] =	vst v63  }
0xae: {  	_ = 	snop  }
0xaf: {  	[tilespmem:s15], [sflag:$0x1] =	stream.indirect_vreg.gather [hbm4b:s6+s2], $0x80, v4, vm0, $0xb8;
	[tilespmem:$0x10080] =	vst v63  }
0xb0: {  	_ = 	snop  }
0xb1: {  	[tilespmem:s16], [sflag:$0x1] =	stream.indirect_vreg.gather [hbm4b:s3+s2], $0x80, v3, vm0, $0xb8;
	[tilespmem:$0x10080] =	vst v63  }
0xb2: {  	_ = 	snop  }
0xb3: {  	[tilespmem:s17], [sflag:$0x1] =	stream.indirect_vreg.gather [hbm4b:s4+s2], $0x80, v3, vm0, $0xb8;
	[tilespmem:$0x10080] =	vst v63  }
0xb4: {  	_ = 	snop  }
0xb5: {  	[tilespmem:s9], [sflag:$0x1] =	stream.indirect_vreg.gather [hbm4b:s5+s2], $0x80, v3, vm0, $0xb8;
	[tilespmem:$0x10080] =	vst v63  }
0xb6: {  	s19 =	simm.s32 $0xB880  }
0xb7: {  	[tilespmem:s19], [sflag:$0x1] =	stream.indirect_vreg.gather [hbm4b:s6+s2], $0x80, v3, vm0, $0xb8;
	[tilespmem:$0x10080] =	vst v63  }
0xb8: {  	v3 =	vld [tilespmem:$0x30];
	_ =	sdelay $0x4  }
0xb9: {  	v63 =	vshll.u32 v3, $0x3  }
0xba: {  	v3 =	vand.u32 $0x7, v3;
	v4 =	vand.u32 $0xFFFFFFC0, v63  }
0xbb: {  	v3 =	vor.u32 v3, v4  }
0xbc: {  	v4 =	vperm.xlane v3, v0;
	_ =	sdelay $0x1  }
0xbd: {  	v4 =	vadd.s32 v1, v4;
	_ =	sdelay $0x3  }
0xbe: {  	s19 =	simm.s32 $0xC080  }
0xbf: {  	[tilespmem:s19], [sflag:$0x1] =	stream.indirect_vreg.gather [hbm4b:s3+s2], $0x80, v4, vm0, $0xb8;
	[tilespmem:$0x10080] =	vst v63  }
0xc0: {  	v3 =	vperm.xlane v3, v2;
	s19 =	simm.s32 $0xC880  }
0xc1: {  	[tilespmem:s19], [sflag:$0x1] =	stream.indirect_vreg.gather [hbm4b:s4+s2], $0x80, v4, vm0, $0xb8;
	[tilespmem:$0x10080] =	vst v63  }
0xc2: {  	v3 =	vadd.s32 v1, v3;
	s19 =	simm.s32 $0xD080  }
0xc3: {  	[tilespmem:s19], [sflag:$0x1] =	stream.indirect_vreg.gather [hbm4b:s5+s2], $0x80, v4, vm0, $0xb8;
	[tilespmem:$0x10080] =	vst v63  }
0xc4: {  	s19 =	simm.s32 $0xD880  }
0xc5: {  	[tilespmem:s19], [sflag:$0x1] =	stream.indirect_vreg.gather [hbm4b:s6+s2], $0x80, v4, vm0, $0xb8;
	[tilespmem:$0x10080] =	vst v63  }
0xc6: {  	s19 =	simm.s32 $0xE080  }
0xc7: {  	[tilespmem:s19], [sflag:$0x1] =	stream.indirect_vreg.gather [hbm4b:s3+s2], $0x80, v3, vm0, $0xb8;
	[tilespmem:$0x10080] =	vst v63  }
0xc8: {  	s19 =	simm.s32 $0xE880  }
0xc9: {  	[tilespmem:s19], [sflag:$0x1] =	stream.indirect_vreg.gather [hbm4b:s4+s2], $0x80, v3, vm0, $0xb8;
	[tilespmem:$0x10080] =	vst v63  }
0xca: {  	s19 =	simm.s32 $0xF080  }
0xcb: {  	[tilespmem:s19], [sflag:$0x1] =	stream.indirect_vreg.gather [hbm4b:s5+s2], $0x80, v3, vm0, $0xb8;
	[tilespmem:$0x10080] =	vst v63  }
0xcc: {  	s19 =	simm.s32 $0xF880  }
0xcd: {  	[tilespmem:s19], [sflag:$0x1] =	stream.indirect_vreg.gather [hbm4b:s6+s2], $0x80, v3, vm0, $0xb8;
	[tilespmem:$0x10080] =	vst v63  }
0xce: {  	_ =	swait.ge [sflag:s18], $0x10000  }
0xcf: {  	p0 =	sne.s32 s7, $0x1;
	[sflag:s18] =	ssyncset.done $0x0  }
.Ltmp0:
0xd0: {  	s1 =	rddreg [dreg:$0x6];
	[sflag:s18] =	ssyncadd.s32 $0xFFFF0000;
	(pc) =	sbr.rel @p0 .LBB2_1-.Ltmp0, $4  }
0xd1: {  	[hbm4b:s1+s2] =	stream.linear.scatter [tilespmem:s0], [sflag:$0x2], $0x10000, $0x38;
	[tilespmem:$0x10080] =	vst v63  }
0xd2: {  	_ =	swait.ge [sflag:s8], $0x10000  }
0xd3: {  	[sflag:s8] =	ssyncset.done $0x0  }
0xd4: {  	s7 =	sadd.s32 $0xFFFFFFFF, s7;
	[sflag:s8] =	ssyncadd.s32 $0xFFFF0000  }
0xd5: {  	_ =	sfence.sel $0x180000  }
0xd6: {  	[bflag:$0x0] =	sbarrier.arrive $0xFFFF  }
0xd7: {  	_ =	strace $0x9000004A  }
0xd8: {  	s0 =	stileid.u32;
	[bflag:$0x2] =	sbarrier.arrive $0xFFFF  }
0xd9: {  	p0 =	sne.s32 s0, $0x0;
	s0 =	rddreg [dreg:$0x2]  }
0xda: {  	s0 =	sadd.s32 @!p0 $0x100000, s0  }
0xdb: {  	[sflag:s0] =	ssyncadd.tile.s32 @!p0 $0x1;
	_ =	shalt  }
.Lfunc_end2:
_tile_overlayer_lowered:
.L_overlay_start_2:
0xdc: {  	(tag) =	ssettag $0x2  }
0xdd: {  	s0 =	rddreg [dreg:$0x0];
	s2 =	stileid.u32  }
0xde: {  	s1 =	rddreg [dreg:$0x1];
	p0 =	sne.s32 s2, $0x0  }
0xdf: {  	s3 =	rddreg [dreg:$0x2];
	[bflag:$0x3] =	sbarrier.arrive $0xFFFF;
	s2 =	simm.s32 @!p0 $0x1C02  }
0xe0: {  	[timem:s3], [sflag:s2] =	dma.local @!p0 [hbm:s0], s1  }
0xe1: {  	s0 =	simm.s32 @!p0 $0x2  }
0xe2: {  	_ =	swait.ge @!p0 [sflag:s0], s1  }
0xe3: {  	s1 =	ssub.s32 @!p0 $0x0, s1;
	[sflag:s0] =	ssyncset.done @!p0 $0x0  }
0xe4: {  	[sflag:s0] =	ssyncadd.s32 @!p0 s1  }
0xe5: {  	[bflag:$0x3] =	sbarrier.arrive $0xFFFF  }
0xe6: {  	_ =	shalt  }

// kernel: kernel.8.cloned.1.call-start
scs
__scs_entry_jumppad:
0x0: {  	(pc) =	sbr.rel $0x88, $3  }
0x1: {  	(tag) =	ssettag $0x0;
	lr =	simm.s32 $0x1  }
0x2: {  	[smem:$0x3F99] =	sst lr;
	_ =	strace $0xD0000000  }
0x3: {  	_ = 	snop  }
0x4: {  	_ = 	snop  }
0x5: {  	_ = 	snop  }
0x6: {  	_ = 	snop  }
0x7: {  	_ = 	snop  }
__scs_overlays_trampoline_lowered:
0x8: {  	[smem:$0x3FA8] =	sst s0  }
0x9: {  	[smem:$0x3FA9] =	sst s1  }
0xa: {  	[smem:$0x3FAA] =	sst s2  }
0xb: {  	[smem:$0x3FAB] =	sst s3  }
0xc: {  	[smem:$0x3FAC] =	sst s4  }
0xd: {  	[smem:$0x3FAD] =	sst s5  }
0xe: {  	[smem:$0x3FAE] =	sst s6  }
0xf: {  	[smem:$0x3FAF] =	sst s7  }
0x10: {  	[smem:$0x3FB0] =	sst s8  }
0x11: {  	[smem:$0x3FB1] =	sst s9;
	s0 =	simm.s32 @!p0 $0x0  }
0x12: {  	s1 =	sld [smem:$0x3F97];
	s0 =	simm.s32 @p0 $0x1  }
0x13: {  	[smem:$0x3FB2] =	sst s0;
	s0 =	simm.s32 @!p1 $0x0  }
0x14: {  	s2 =	sld [smem:$0x3F96];
	s0 =	simm.s32 @p1 $0x1  }
0x15: {  	[smem:$0x3FB3] =	sst s0;
	s0 =	simm.s32 @!p2 $0x0  }
0x16: {  	s3 =	sld [smem:$0x3FDB];
	s0 =	simm.s32 @p2 $0x1  }
0x17: {  	s4 =	simm.s32 $0x1BF5;
	[smem:$0x3FB5] =	sst s0  }
0x18: {  	s0 =	sld [smem:$0x3F98];
	_ =	swait.ge [sflag:s4], $0x0  }
0x19: {  	s7 =	sld [smem:$0x3F99]  }
0x1a: {  	s8 =	sadd.s32 $0xFFFFE003, lr  }
0x1b: {  	s9 =	sadd.s32 $0xFFFFFEF7, lr;
	s5 =	simm.s32 $0xFFFFFFFF;
	p2 =	slt.u32 s8, $0xFFFFF086  }
0x1c: {  	p1 =	slt.u32 s9, $0xF7A;
	s5 =	simm.s32 @!p2 $0x0  }
0x1d: {  	s5 =	simm.s32 @p1 $0x1;
	p0 =	seq.s32 s7, s2  }
0x1e: {  	s7 =	smul.u32 @!p0 $0xF7A, s2;
	p2 =	seq.s32 @!p0 s5, $0x0  }
0x1f: {  	s9 =	smul.u32 $0xF7A, s1;
	s8 =	simm.s32 @!p0 $0x1BF5;
	p2 =	por !p2, p0  }
0x20: {  	[sflag:s8] =	ssyncset.s32 @!p0 $0xFFFFF086;
	s6 =	sadd.s32 @!p0 s3, s7;
	s7 =	simm.s32 @!p0 $0x108  }
0x21: {  	s3 =	sadd.s32 s3, s9;
	s6 =	sadd.s32 @!p0 $0x88, s6;
	s7 =	simm.s32 @p2 $0x1082  }
0x22: {  	[simem:s7], [sflag:s8] =	dma.local @!p0 [hbm:s6], $0xF7A  }
0x23: {  	s9 =	sor.u32 $0xD0000000, s2;
	s6 =	simm.s32 $0x108;
	_ =	swait.ge @!p0 [sflag:s8], $0x0  }
0x24: {  	s3 =	sadd.s32 $0x88, s3;
	s6 =	simm.s32 @!p1 $0x1082;
	[sflag:s4] =	ssyncset.s32 $0xFFFFF086  }
0x25: {  	[simem:s6], [sflag:s4] =	dma.local [hbm:s3], $0xF7A  }
0x26: {  	[smem:$0x3F99] =	sst s1;
	(tag) =	ssettag s2;
	_ =	strace s9  }
0x27: {  	s1 =	sld [smem:$0x3FA9]  }
0x28: {  	s2 =	sld [smem:$0x3FAA]  }
0x29: {  	s4 =	sld [smem:$0x3FAC]  }
0x2a: {  	p0 =	seq.s32 s5, $0x0;
	s5 =	sld [smem:$0x3FAD]  }
0x2b: {  	s6 =	sld [smem:$0x3FAE]  }
0x2c: {  	s7 =	sld [smem:$0x3FAF]  }
0x2d: {  	s3 =	simm.s32 $0x108;
	s8 =	sld [smem:$0x3FB0]  }
0x2e: {  	s3 =	simm.s32 @!p0 $0x1082;
	s9 =	sld [smem:$0x3FB1]  }
0x2f: {  	lr =	sadd.s32 s0, s3;
	s0 =	sld [smem:$0x3FA8]  }
0x30: {  	s3 =	sld [smem:$0x3FAB]  }
0x31: {  	[smem:$0x3FB4] =	sst s10  }
0x32: {  	s10 =	sld [smem:$0x3FB2];
	_ =	sdelay $0x3  }
0x33: {  	p0 =	seq.s32 s10, $0x1;
	s10 =	sld [smem:$0x3FB4];
	_ =	sdelay $0x3  }
0x34: {  	[smem:$0x3FB4] =	sst s10  }
0x35: {  	s10 =	sld [smem:$0x3FB3];
	_ =	sdelay $0x3  }
0x36: {  	p1 =	seq.s32 s10, $0x1;
	s10 =	sld [smem:$0x3FB4];
	_ =	sdelay $0x3  }
0x37: {  	[smem:$0x3FB4] =	sst s10  }
0x38: {  	s10 =	sld [smem:$0x3FB5]  }
0x39: {  	_ = 	snop;
	(pc) =	sbr.ind lr, $3  }
0x3a: {  	_ = 	snop  }
0x3b: {  	_ = 	snop  }
0x3c: {  	p2 =	seq.s32 s10, $0x1;
	s10 =	sld [smem:$0x3FB4]  }
0x3d: {  	_ =	shalt  }
0x3e: {  	_ =	shalt  }
0x3f: {  	_ =	shalt  }
0x40: {  	_ =	shalt  }
0x41: {  	_ =	shalt  }
0x42: {  	_ =	shalt  }
0x43: {  	_ =	shalt  }
0x44: {  	_ =	shalt  }
0x45: {  	_ =	shalt  }
0x46: {  	_ =	shalt  }
0x47: {  	_ =	shalt  }
0x48: {  	_ =	shalt  }
0x49: {  	_ =	shalt  }
0x4a: {  	_ =	shalt  }
0x4b: {  	_ =	shalt  }
0x4c: {  	_ =	shalt  }
0x4d: {  	_ =	shalt  }
0x4e: {  	_ =	shalt  }
0x4f: {  	_ =	shalt  }
0x50: {  	_ =	shalt  }
0x51: {  	_ =	shalt  }
0x52: {  	_ =	shalt  }
0x53: {  	_ =	shalt  }
0x54: {  	_ =	shalt  }
0x55: {  	_ =	shalt  }
0x56: {  	_ =	shalt  }
0x57: {  	_ =	shalt  }
0x58: {  	_ =	shalt  }
0x59: {  	_ =	shalt  }
0x5a: {  	_ =	shalt  }
0x5b: {  	_ =	shalt  }
0x5c: {  	_ =	shalt  }
0x5d: {  	_ =	shalt  }
0x5e: {  	_ =	shalt  }
0x5f: {  	_ =	shalt  }
0x60: {  	_ =	shalt  }
0x61: {  	_ =	shalt  }
0x62: {  	_ =	shalt  }
0x63: {  	_ =	shalt  }
0x64: {  	_ =	shalt  }
0x65: {  	_ =	shalt  }
0x66: {  	_ =	shalt  }
0x67: {  	_ =	shalt  }
0x68: {  	_ =	shalt  }
0x69: {  	_ =	shalt  }
0x6a: {  	_ =	shalt  }
0x6b: {  	_ =	shalt  }
0x6c: {  	_ =	shalt  }
0x6d: {  	_ =	shalt  }
0x6e: {  	_ =	shalt  }
0x6f: {  	_ =	shalt  }
0x70: {  	_ =	shalt  }
0x71: {  	_ =	shalt  }
0x72: {  	_ =	shalt  }
0x73: {  	_ =	shalt  }
0x74: {  	_ =	shalt  }
0x75: {  	_ =	shalt  }
0x76: {  	_ =	shalt  }
0x77: {  	_ =	shalt  }
0x78: {  	_ =	shalt  }
0x79: {  	_ =	shalt  }
0x7a: {  	_ =	shalt  }
0x7b: {  	_ =	shalt  }
0x7c: {  	_ =	shalt  }
0x7d: {  	_ =	shalt  }
0x7e: {  	_ =	shalt  }
0x7f: {  	_ =	shalt  }
0x80: {  	_ =	shalt  }
0x81: {  	_ =	shalt  }
0x82: {  	_ =	shalt  }
0x83: {  	_ =	shalt  }
0x84: {  	_ =	shalt  }
0x85: {  	_ =	shalt  }
0x86: {  	_ =	shalt  }
0x87: {  	_ =	shalt  }
.Lfunc_end0:
.L_simem_size_0:
called_computation_lowered:
.L_overlay_start_0:
0x88: {  	s2 =	sld [smem:$0x3FD9]  }
0x89: {  	s3 =	sld [smem:$0x3FFE];
	_ =	sdelay $0x1  }
0x8a: {  	s1 =	srdreg.scid  }
0x8b: {  	s0 =	sand.u32 $0x1, s1  }
0x8c: {  	s17 =	sshll.u32 s0, $0xA;
	s2 =	sadd.s32 s3, s2  }
0x8d: {  	s2 =	sadd.s32 s2, s17  }
0x8e: {  	[smem:$0x3FC0] =	sst s2  }
0x8f: {  	_ = 	snop  }
0x90: {  	s2 =	sld [smem:$0x3FC9]  }
0x91: {  	s18 =	sld [smem:$0x3FD0];
	(tm) =	ssettm $0x1  }
0x92: {  	s4 =	sld [smem:$0x3FFB];
	_ =	sdelay $0x3  }
0x93: {  	_ =	strace s4  }
0x94: {  	s4 =	sld [smem:$0x3FFC];
	_ =	sdelay $0x3  }
0x95: {  	_ =	strace s4  }
0x96: {  	s4 =	sld [smem:$0x3FFD];
	_ =	sdelay $0x3  }
0x97: {  	_ =	strace s4  }
0x98: {  	_ =	strace $0x8FFFFFFF  }
0x99: {  	s19 =	sld [smem:$0x3FDB];
	_ =	sdelay $0x1  }
0x9a: {  	s5 =	simm.s32 $_scs_section_size  }
0x9b: {  	s6 =	simm.s32 $_size__tile_overlayer_lowered;
	s7 =	simm.s32 $_tile_overlayer_lowered  }
0x9c: {  	s22 =	simm.s32 $0x1BFF;
	s21 =	sshll.u32 s7, $0x1;
	s4 =	sadd.s32 s5, s19  }
0x9d: {  	s8 =	simm.s32 $0x0;
	s20 =	sshll.u32 s6, $0x1;
	s6 =	sadd.s32 s21, s4  }
0x9e: {  	[timem:s8], [sflag:s22] =	dma.local [hbm:s6], s20  }
0x9f: {  	_ =	swait.ge [sflag:s22], s20  }
0xa0: {  	s5 =	ssub.s32 $0x0, s20;
	[sflag:s22] =	ssyncset.done $0x0  }
0xa1: {  	[sflag:s22] =	ssyncadd.s32 s5;
	_ =	sdelay $0x1  }
0xa2: {  	s23 =	simm.s32 $0x1B8B  }
0xa3: {  	_ =	swait.ge [sflag:s23], $0x1  }
0xa4: {  	[sflag:s23] =	ssyncset.done $0x0  }
0xa5: {  	s25 =	simm.s32 $0x1B8E;
	s24 =	sld [smem:$0x3FFE];
	[sflag:s23] =	ssyncadd.s32 $0xFFFFFFFF  }
0xa6: {  	s26 =	simm.s32 $execute0_lowered;
	[smem:$0x3FD2] =	sst s25  }
0xa7: {  	s6 =	sshll.u32 s26, $0x1;
	_ =	strace $0x80000046;
	[dreg:$0x1] =	wrdreg $0xFFFFFFFF  }
0xa8: {  	s28 =	simm.s32 $_size_execute0_lowered;
	s4 =	sadd.s32 s4, s6;
	[dreg:$0x0] =	wrdreg $0x0  }
0xa9: {  	s6 =	sshll.u32 s28, $0x1;
	[dreg:$0x2] =	wrdreg s4  }
0xaa: {  	[dreg:$0x3] =	wrdreg s6  }
0xab: {  	[dreg:$0x4] =	wrdreg $0xC0  }
0xac: {  	_ =	task [dreg:s8], $0x5FFFF  }
0xad: {  	[dreg:$0x1] =	wrdreg $0xFFFFFFFF  }
0xae: {  	[dreg:$0x0] =	wrdreg $0x60  }
0xaf: {  	[dreg:$0x2] =	wrdreg s2  }
0xb0: {  	[dreg:$0x3] =	wrdreg s18  }
0xb1: {  	[dreg:$0x4] =	wrdreg s24  }
0xb2: {  	[dreg:$0x5] =	wrdreg $0x9  }
0xb3: {  	_ =	task.clear_ibuf [dreg:s8], $0x6FFFF;
	_ =	strace $0x90000046  }
0xb4: {  	s29 =	simm.s32 $0x9;
	_ =	strace $0x80000048  }
0xb5: {  	_ =	swait.ge [sflag:s29], $0x1  }
0xb6: {  	[sflag:s29] =	ssyncadd.s32 $0xFFFFFFFF  }
0xb7: {  	_ =	strace $0x90000048  }
0xb8: {  	_ =	sfence  }
0xb9: {  	s30 =	sld [smem:$0x0];
	_ =	sdelay $0x2  }
0xba: {  	s31 =	sshll.u32 s1, $0xD;
	s1 =	sshrl.u32 s1, $0x2  }
0xbb: {  	s3 =	sand.u32 $0x4000, s31;
	s1 =	sadd.s32 s1, s30  }
0xbc: {  	s0 =	sor.u32 s3, s0;
	s1 =	sshll.u32 s1, $0x11  }
0xbd: {  	s0 =	sor.u32 s1, s0  }
0xbe: {  	s0 =	sadd.s32 $0x8F2B, s0  }
0xbf: {  	[sflag:s0] =	ssyncadd.remote.s32 $0x1  }
0xc0: {  	_ =	sfence.sel $0xFFFF  }
0xc1: {  	[dreg:$0x0] =	wrdreg $0xFFFFFFFF;
	(pc) =	sbr.abs _section_cstart, $3  }
0xc2: {  	[dreg:$0x1] =	wrdreg $0xFFFFFFFF  }
0xc3: {  	_ =	task.clear_ibuf [dreg:s8], $0x2FFFF;
	_ =	strace $0x9FFFFFFF  }
0xc4: {  	(tm) =	ssettm $0x7FFFFFFF  }
0xc5: {  	_ =	shalt  }
tec
execute0_lowered:
.L_overlay_start_1:
0x0: {  	(tag) =	ssettag $0x1  }
0x1: {  	s4 =	rddreg [dreg:$0x0]  }
0x2: {  	s10 =	rddreg [dreg:$0x1]  }
0x3: {  	s7 =	rddreg [dreg:$0x2]  }
0x4: {  	s0 =	rddreg [dreg:$0x3]  }
0x5: {  	s2 =	simm.s32 $0x0;
	s3 =	srdreg.scid;
	s1 =	stileid.u32  }
0x6: {  	s14 =	simm.s32 $0x200;
	s15 =	simm.s32 $0xA00;
	s16 =	simm.s32 $0x1200  }
0x7: {  	s17 =	simm.s32 $0x1A00;
	s18 =	simm.s32 $0x2200;
	s19 =	simm.s32 $0x2A00  }
0x8: {  	s20 =	simm.s32 $0x3200;
	s21 =	simm.s32 $0x3A00;
	s22 =	simm.s32 $0x4200  }
0x9: {  	s23 =	simm.s32 $0x4A00;
	s24 =	simm.s32 $0x5200;
	s25 =	simm.s32 $0x5A00  }
0xa: {  	s28 =	simm.s32 $0x6A00;
	s29 =	simm.s32 $0x7200;
	s30 =	simm.s32 $0x7A00  }
0xb: {  	s31 =	simm.s32 $0x1;
	[smem:$0x7FF] =	sst s2;
	s3 =	sand.u32 $0x1, s3  }
0xc: {  	s5 =	sshll.u32 s1, $0x1;
	s12 =	sadd.s32 $0x1800, s7;
	p0 =	slt.u32 s1, $0x8  }
0xd: {  	_ =	strace $0x80000047;
	s6 =	ssub.s32 $0x2, s3;
	s5 =	sand.u32 $0xE, s5  }
0xe: {  	s12 =	smov.u32 @p0 s10;
	s8 =	sshrl.u32 s6, $0x1;
	s5 =	sor.u32 s3, s5  }
0xf: {  	s3 =	sadd.s32 $0x1C00, s7;
	s11 =	ssub.s32 s6, s8;
	s26 =	sshll.u32 s5, $0xE  }
0x10: {  	s13 =	sshll.u32 s5, $0x6;
	s5 =	sadd.s32 $0x1D00, s7;
	s6 =	sadd.s32 $0x1E00, s7  }
0x11: {  	v2 =	vlaneseq.u32;
	s7 =	sadd.s32 $0x1F00, s7;
	s4 =	sadd.s32 s4, s26;
	s11 =	smax.u32 s11, $0x1  }
0x12: {  	vm0 =	vmmov $0xffff;
	v1 =	vshrl.u32 v2, $0x3;
	s12 =	sadd.s32 s12, s13;
	s13 =	simm.s32 $0x2;
	s26 =	simm.s32 $0x6200  }
0x13: {  	v0 =	vand.u32 $0x7, v2;
	v2 =	vor.u32 $0x8, v2;
	v1 =	vmul.u32 $0x8, v1;
	s8 =	sadd.s32 $0x1000, s4;
	s9 =	sadd.s32 $0x2000, s4;
	s10 =	sadd.s32 $0x3000, s4  }
.LBB2_1:
0x14: {  	[tilespmem:s2], [sflag:$0x2] =	stream.linear.gather [hbm4b:s12+s2], $0x200, $0x38;
	[tilespmem:$0x8200] =	vst v63  }
0x15: {  	_ =	swait.ge [sflag:s13], $0x200  }
0x16: {  	[sflag:s13] =	ssyncset.done $0x0  }
0x17: {  	[sflag:s13] =	ssyncadd.s32 $0xFFFFFE00  }
0x18: {  	[tilespmem:s14], [sflag:$0x2] =	stream.linear.gather [hbm4b:s4+s2], $0x8000, $0x38;
	[tilespmem:$0x8200] =	vst v63  }
0x19: {  	_ =	swait.ge [sflag:s13], $0x8000  }
0x1a: {  	[sflag:s13] =	ssyncset.done $0x0  }
0x1b: {  	[sflag:s13] =	ssyncadd.s32 $0xFFFF8000  }
0x1c: {  	v3 =	vld [tilespmem:$0x0];
	_ =	sdelay $0x4  }
0x1d: {  	v4 =	vshll.u32 v3, $0x3  }
0x1e: {  	v3 =	vand.u32 $0x7, v3;
	v4 =	vand.u32 $0xFFFFFFC0, v4  }
0x1f: {  	v3 =	vor.u32 v3, v4  }
0x20: {  	v4 =	vperm.xlane v3, v0;
	_ =	sdelay $0x1  }
0x21: {  	v4 =	vadd.s32 v1, v4;
	_ =	sdelay $0x4  }
0x22: {  	[hbm4b:s3+s2] =	stream.indirect_vreg.scatter [tilespmem:s14], [sflag:$0x1], $0x80, v4, vm0, $0xb8;
	[tilespmem:$0x8200] =	vst v63  }
0x23: {  	v3 =	vperm.xlane v3, v2  }
0x24: {  	[hbm4b:s5+s2] =	stream.indirect_vreg.scatter [tilespmem:s15], [sflag:$0x1], $0x80, v4, vm0, $0xb8;
	[tilespmem:$0x8200] =	vst v63  }
0x25: {  	v3 =	vadd.s32 v1, v3  }
0x26: {  	[hbm4b:s6+s2] =	stream.indirect_vreg.scatter [tilespmem:s16], [sflag:$0x1], $0x80, v4, vm0, $0xb8;
	[tilespmem:$0x8200] =	vst v63  }
0x27: {  	_ = 	snop  }
0x28: {  	[hbm4b:s7+s2] =	stream.indirect_vreg.scatter [tilespmem:s17], [sflag:$0x1], $0x80, v4, vm0, $0xb8;
	[tilespmem:$0x8200] =	vst v63  }
0x29: {  	_ = 	snop  }
0x2a: {  	[hbm4b:s3+s2] =	stream.indirect_vreg.scatter [tilespmem:s18], [sflag:$0x1], $0x80, v3, vm0, $0xb8;
	[tilespmem:$0x8200] =	vst v63  }
0x2b: {  	_ = 	snop  }
0x2c: {  	[hbm4b:s5+s2] =	stream.indirect_vreg.scatter [tilespmem:s19], [sflag:$0x1], $0x80, v3, vm0, $0xb8;
	[tilespmem:$0x8200] =	vst v63  }
0x2d: {  	_ = 	snop  }
0x2e: {  	[hbm4b:s6+s2] =	stream.indirect_vreg.scatter [tilespmem:s20], [sflag:$0x1], $0x80, v3, vm0, $0xb8;
	[tilespmem:$0x8200] =	vst v63  }
0x2f: {  	_ = 	snop  }
0x30: {  	[hbm4b:s7+s2] =	stream.indirect_vreg.scatter [tilespmem:s21], [sflag:$0x1], $0x80, v3, vm0, $0xb8;
	[tilespmem:$0x8200] =	vst v63  }
0x31: {  	v3 =	vld [tilespmem:$0x10];
	_ =	sdelay $0x4  }
0x32: {  	v57 =	vshll.u32 v3, $0x3  }
0x33: {  	v3 =	vand.u32 $0x7, v3;
	v4 =	vand.u32 $0xFFFFFFC0, v57  }
0x34: {  	v3 =	vor.u32 v3, v4  }
0x35: {  	v4 =	vperm.xlane v3, v0;
	_ =	sdelay $0x1  }
0x36: {  	v4 =	vadd.s32 v1, v4;
	_ =	sdelay $0x4  }
0x37: {  	[hbm4b:s3+s2] =	stream.indirect_vreg.scatter [tilespmem:s22], [sflag:$0x1], $0x80, v4, vm0, $0xb8;
	[tilespmem:$0x8200] =	vst v63  }
0x38: {  	v3 =	vperm.xlane v3, v2  }
0x39: {  	[hbm4b:s5+s2] =	stream.indirect_vreg.scatter [tilespmem:s23], [sflag:$0x1], $0x80, v4, vm0, $0xb8;
	[tilespmem:$0x8200] =	vst v63  }
0x3a: {  	v3 =	vadd.s32 v1, v3  }
0x3b: {  	[hbm4b:s6+s2] =	stream.indirect_vreg.scatter [tilespmem:s24], [sflag:$0x1], $0x80, v4, vm0, $0xb8;
	[tilespmem:$0x8200] =	vst v63  }
0x3c: {  	_ = 	snop  }
0x3d: {  	[hbm4b:s7+s2] =	stream.indirect_vreg.scatter [tilespmem:s25], [sflag:$0x1], $0x80, v4, vm0, $0xb8;
	[tilespmem:$0x8200] =	vst v63  }
0x3e: {  	_ = 	snop  }
0x3f: {  	[hbm4b:s3+s2] =	stream.indirect_vreg.scatter [tilespmem:s26], [sflag:$0x1], $0x80, v3, vm0, $0xb8;
	[tilespmem:$0x8200] =	vst v63  }
0x40: {  	_ = 	snop  }
0x41: {  	[hbm4b:s5+s2] =	stream.indirect_vreg.scatter [tilespmem:s28], [sflag:$0x1], $0x80, v3, vm0, $0xb8;
	[tilespmem:$0x8200] =	vst v63  }
0x42: {  	_ = 	snop  }
0x43: {  	[hbm4b:s6+s2] =	stream.indirect_vreg.scatter [tilespmem:s29], [sflag:$0x1], $0x80, v3, vm0, $0xb8;
	[tilespmem:$0x8200] =	vst v63  }
0x44: {  	_ = 	snop  }
0x45: {  	[hbm4b:s7+s2] =	stream.indirect_vreg.scatter [tilespmem:s30], [sflag:$0x1], $0x80, v3, vm0, $0xb8;
	[tilespmem:$0x8200] =	vst v63  }
0x46: {  	_ =	swait.ge [sflag:s31], $0x8000  }
0x47: {  	[sflag:s31] =	ssyncset.done $0x0  }
0x48: {  	[sflag:s31] =	ssyncadd.s32 $0xFFFF8000  }
0x49: {  	[tilespmem:s14], [sflag:$0x2] =	stream.linear.gather [hbm4b:s8+s2], $0x8000, $0x38;
	[tilespmem:$0x8200] =	vst v63  }
0x4a: {  	_ =	swait.ge [sflag:s13], $0x8000  }
0x4b: {  	[sflag:s13] =	ssyncset.done $0x0  }
0x4c: {  	[sflag:s13] =	ssyncadd.s32 $0xFFFF8000  }
0x4d: {  	v3 =	vld [tilespmem:$0x80];
	_ =	sdelay $0x4  }
0x4e: {  	v58 =	vshll.u32 v3, $0x3  }
0x4f: {  	v3 =	vand.u32 $0x7, v3;
	v4 =	vand.u32 $0xFFFFFFC0, v58  }
0x50: {  	v3 =	vor.u32 v3, v4  }
0x51: {  	v4 =	vperm.xlane v3, v0;
	_ =	sdelay $0x1  }
0x52: {  	v4 =	vadd.s32 v1, v4;
	_ =	sdelay $0x4  }
0x53: {  	[hbm4b:s3+s2] =	stream.indirect_vreg.scatter [tilespmem:s14], [sflag:$0x1], $0x80, v4, vm0, $0xb8;
	[tilespmem:$0x8200] =	vst v63  }
0x54: {  	v3 =	vperm.xlane v3, v2  }
0x55: {  	[hbm4b:s5+s2] =	stream.indirect_vreg.scatter [tilespmem:s15], [sflag:$0x1], $0x80, v4, vm0, $0xb8;
	[tilespmem:$0x8200] =	vst v63  }
0x56: {  	v3 =	vadd.s32 v1, v3  }
0x57: {  	[hbm4b:s6+s2] =	stream.indirect_vreg.scatter [tilespmem:s16], [sflag:$0x1], $0x80, v4, vm0, $0xb8;
	[tilespmem:$0x8200] =	vst v63  }
0x58: {  	_ = 	snop  }
0x59: {  	[hbm4b:s7+s2] =	stream.indirect_vreg.scatter [tilespmem:s17], [sflag:$0x1], $0x80, v4, vm0, $0xb8;
	[tilespmem:$0x8200] =	vst v63  }
0x5a: {  	_ = 	snop  }
0x5b: {  	[hbm4b:s3+s2] =	stream.indirect_vreg.scatter [tilespmem:s18], [sflag:$0x1], $0x80, v3, vm0, $0xb8;
	[tilespmem:$0x8200] =	vst v63  }
0x5c: {  	_ = 	snop  }
0x5d: {  	[hbm4b:s5+s2] =	stream.indirect_vreg.scatter [tilespmem:s19], [sflag:$0x1], $0x80, v3, vm0, $0xb8;
	[tilespmem:$0x8200] =	vst v63  }
0x5e: {  	_ = 	snop  }
0x5f: {  	[hbm4b:s6+s2] =	stream.indirect_vreg.scatter [tilespmem:s20], [sflag:$0x1], $0x80, v3, vm0, $0xb8;
	[tilespmem:$0x8200] =	vst v63  }
0x60: {  	_ = 	snop  }
0x61: {  	[hbm4b:s7+s2] =	stream.indirect_vreg.scatter [tilespmem:s21], [sflag:$0x1], $0x80, v3, vm0, $0xb8;
	[tilespmem:$0x8200] =	vst v63  }
0x62: {  	v3 =	vld [tilespmem:$0x90];
	_ =	sdelay $0x4  }
0x63: {  	v59 =	vshll.u32 v3, $0x3  }
0x64: {  	v3 =	vand.u32 $0x7, v3;
	v4 =	vand.u32 $0xFFFFFFC0, v59  }
0x65: {  	v3 =	vor.u32 v3, v4  }
0x66: {  	v4 =	vperm.xlane v3, v0;
	_ =	sdelay $0x1  }
0x67: {  	v4 =	vadd.s32 v1, v4;
	_ =	sdelay $0x4  }
0x68: {  	[hbm4b:s3+s2] =	stream.indirect_vreg.scatter [tilespmem:s22], [sflag:$0x1], $0x80, v4, vm0, $0xb8;
	[tilespmem:$0x8200] =	vst v63  }
0x69: {  	v3 =	vperm.xlane v3, v2  }
0x6a: {  	[hbm4b:s5+s2] =	stream.indirect_vreg.scatter [tilespmem:s23], [sflag:$0x1], $0x80, v4, vm0, $0xb8;
	[tilespmem:$0x8200] =	vst v63  }
0x6b: {  	v3 =	vadd.s32 v1, v3  }
0x6c: {  	[hbm4b:s6+s2] =	stream.indirect_vreg.scatter [tilespmem:s24], [sflag:$0x1], $0x80, v4, vm0, $0xb8;
	[tilespmem:$0x8200] =	vst v63  }
0x6d: {  	_ = 	snop  }
0x6e: {  	[hbm4b:s7+s2] =	stream.indirect_vreg.scatter [tilespmem:s25], [sflag:$0x1], $0x80, v4, vm0, $0xb8;
	[tilespmem:$0x8200] =	vst v63  }
0x6f: {  	_ = 	snop  }
0x70: {  	[hbm4b:s3+s2] =	stream.indirect_vreg.scatter [tilespmem:s26], [sflag:$0x1], $0x80, v3, vm0, $0xb8;
	[tilespmem:$0x8200] =	vst v63  }
0x71: {  	_ = 	snop  }
0x72: {  	[hbm4b:s5+s2] =	stream.indirect_vreg.scatter [tilespmem:s28], [sflag:$0x1], $0x80, v3, vm0, $0xb8;
	[tilespmem:$0x8200] =	vst v63  }
0x73: {  	_ = 	snop  }
0x74: {  	[hbm4b:s6+s2] =	stream.indirect_vreg.scatter [tilespmem:s29], [sflag:$0x1], $0x80, v3, vm0, $0xb8;
	[tilespmem:$0x8200] =	vst v63  }
0x75: {  	_ = 	snop  }
0x76: {  	[hbm4b:s7+s2] =	stream.indirect_vreg.scatter [tilespmem:s30], [sflag:$0x1], $0x80, v3, vm0, $0xb8;
	[tilespmem:$0x8200] =	vst v63  }
0x77: {  	_ =	swait.ge [sflag:s31], $0x8000  }
0x78: {  	[sflag:s31] =	ssyncset.done $0x0  }
0x79: {  	[sflag:s31] =	ssyncadd.s32 $0xFFFF8000  }
0x7a: {  	[tilespmem:s14], [sflag:$0x2] =	stream.linear.gather [hbm4b:s9+s2], $0x8000, $0x38;
	[tilespmem:$0x8200] =	vst v63  }
0x7b: {  	_ =	swait.ge [sflag:s13], $0x8000  }
0x7c: {  	[sflag:s13] =	ssyncset.done $0x0  }
0x7d: {  	[sflag:s13] =	ssyncadd.s32 $0xFFFF8000  }
0x7e: {  	v3 =	vld [tilespmem:$0x100];
	_ =	sdelay $0x4  }
0x7f: {  	v60 =	vshll.u32 v3, $0x3  }
0x80: {  	v3 =	vand.u32 $0x7, v3;
	v4 =	vand.u32 $0xFFFFFFC0, v60  }
0x81: {  	v3 =	vor.u32 v3, v4  }
0x82: {  	v4 =	vperm.xlane v3, v0;
	_ =	sdelay $0x1  }
0x83: {  	v4 =	vadd.s32 v1, v4;
	_ =	sdelay $0x4  }
0x84: {  	[hbm4b:s3+s2] =	stream.indirect_vreg.scatter [tilespmem:s14], [sflag:$0x1], $0x80, v4, vm0, $0xb8;
	[tilespmem:$0x8200] =	vst v63  }
0x85: {  	v3 =	vperm.xlane v3, v2  }
0x86: {  	[hbm4b:s5+s2] =	stream.indirect_vreg.scatter [tilespmem:s15], [sflag:$0x1], $0x80, v4, vm0, $0xb8;
	[tilespmem:$0x8200] =	vst v63  }
0x87: {  	v3 =	vadd.s32 v1, v3  }
0x88: {  	[hbm4b:s6+s2] =	stream.indirect_vreg.scatter [tilespmem:s16], [sflag:$0x1], $0x80, v4, vm0, $0xb8;
	[tilespmem:$0x8200] =	vst v63  }
0x89: {  	_ = 	snop  }
0x8a: {  	[hbm4b:s7+s2] =	stream.indirect_vreg.scatter [tilespmem:s17], [sflag:$0x1], $0x80, v4, vm0, $0xb8;
	[tilespmem:$0x8200] =	vst v63  }
0x8b: {  	_ = 	snop  }
0x8c: {  	[hbm4b:s3+s2] =	stream.indirect_vreg.scatter [tilespmem:s18], [sflag:$0x1], $0x80, v3, vm0, $0xb8;
	[tilespmem:$0x8200] =	vst v63  }
0x8d: {  	_ = 	snop  }
0x8e: {  	[hbm4b:s5+s2] =	stream.indirect_vreg.scatter [tilespmem:s19], [sflag:$0x1], $0x80, v3, vm0, $0xb8;
	[tilespmem:$0x8200] =	vst v63  }
0x8f: {  	_ = 	snop  }
0x90: {  	[hbm4b:s6+s2] =	stream.indirect_vreg.scatter [tilespmem:s20], [sflag:$0x1], $0x80, v3, vm0, $0xb8;
	[tilespmem:$0x8200] =	vst v63  }
0x91: {  	_ = 	snop  }
0x92: {  	[hbm4b:s7+s2] =	stream.indirect_vreg.scatter [tilespmem:s21], [sflag:$0x1], $0x80, v3, vm0, $0xb8;
	[tilespmem:$0x8200] =	vst v63  }
0x93: {  	v3 =	vld [tilespmem:$0x110];
	_ =	sdelay $0x4  }
0x94: {  	v61 =	vshll.u32 v3, $0x3  }
0x95: {  	v3 =	vand.u32 $0x7, v3;
	v4 =	vand.u32 $0xFFFFFFC0, v61  }
0x96: {  	v3 =	vor.u32 v3, v4  }
0x97: {  	v4 =	vperm.xlane v3, v0;
	_ =	sdelay $0x1  }
0x98: {  	v4 =	vadd.s32 v1, v4;
	_ =	sdelay $0x4  }
0x99: {  	[hbm4b:s3+s2] =	stream.indirect_vreg.scatter [tilespmem:s22], [sflag:$0x1], $0x80, v4, vm0, $0xb8;
	[tilespmem:$0x8200] =	vst v63  }
0x9a: {  	v3 =	vperm.xlane v3, v2  }
0x9b: {  	[hbm4b:s5+s2] =	stream.indirect_vreg.scatter [tilespmem:s23], [sflag:$0x1], $0x80, v4, vm0, $0xb8;
	[tilespmem:$0x8200] =	vst v63  }
0x9c: {  	v3 =	vadd.s32 v1, v3  }
0x9d: {  	[hbm4b:s6+s2] =	stream.indirect_vreg.scatter [tilespmem:s24], [sflag:$0x1], $0x80, v4, vm0, $0xb8;
	[tilespmem:$0x8200] =	vst v63  }
0x9e: {  	_ = 	snop  }
0x9f: {  	[hbm4b:s7+s2] =	stream.indirect_vreg.scatter [tilespmem:s25], [sflag:$0x1], $0x80, v4, vm0, $0xb8;
	[tilespmem:$0x8200] =	vst v63  }
0xa0: {  	_ = 	snop  }
0xa1: {  	[hbm4b:s3+s2] =	stream.indirect_vreg.scatter [tilespmem:s26], [sflag:$0x1], $0x80, v3, vm0, $0xb8;
	[tilespmem:$0x8200] =	vst v63  }
0xa2: {  	_ = 	snop  }
0xa3: {  	[hbm4b:s5+s2] =	stream.indirect_vreg.scatter [tilespmem:s28], [sflag:$0x1], $0x80, v3, vm0, $0xb8;
	[tilespmem:$0x8200] =	vst v63  }
0xa4: {  	_ = 	snop  }
0xa5: {  	[hbm4b:s6+s2] =	stream.indirect_vreg.scatter [tilespmem:s29], [sflag:$0x1], $0x80, v3, vm0, $0xb8;
	[tilespmem:$0x8200] =	vst v63  }
0xa6: {  	_ = 	snop  }
0xa7: {  	[hbm4b:s7+s2] =	stream.indirect_vreg.scatter [tilespmem:s30], [sflag:$0x1], $0x80, v3, vm0, $0xb8;
	[tilespmem:$0x8200] =	vst v63  }
0xa8: {  	_ =	swait.ge [sflag:s31], $0x8000  }
0xa9: {  	[sflag:s31] =	ssyncset.done $0x0  }
0xaa: {  	[sflag:s31] =	ssyncadd.s32 $0xFFFF8000  }
0xab: {  	[tilespmem:s14], [sflag:$0x2] =	stream.linear.gather [hbm4b:s10+s2], $0x8000, $0x38;
	[tilespmem:$0x8200] =	vst v63  }
0xac: {  	_ =	swait.ge [sflag:s13], $0x8000  }
0xad: {  	[sflag:s13] =	ssyncset.done $0x0  }
0xae: {  	[sflag:s13] =	ssyncadd.s32 $0xFFFF8000  }
0xaf: {  	v3 =	vld [tilespmem:$0x180];
	_ =	sdelay $0x4  }
0xb0: {  	v62 =	vshll.u32 v3, $0x3  }
0xb1: {  	v3 =	vand.u32 $0x7, v3;
	v4 =	vand.u32 $0xFFFFFFC0, v62  }
0xb2: {  	v3 =	vor.u32 v3, v4  }
0xb3: {  	v4 =	vperm.xlane v3, v0;
	_ =	sdelay $0x1  }
0xb4: {  	v4 =	vadd.s32 v1, v4;
	_ =	sdelay $0x4  }
0xb5: {  	[hbm4b:s3+s2] =	stream.indirect_vreg.scatter [tilespmem:s14], [sflag:$0x1], $0x80, v4, vm0, $0xb8;
	[tilespmem:$0x8200] =	vst v63  }
0xb6: {  	v3 =	vperm.xlane v3, v2  }
0xb7: {  	[hbm4b:s5+s2] =	stream.indirect_vreg.scatter [tilespmem:s15], [sflag:$0x1], $0x80, v4, vm0, $0xb8;
	[tilespmem:$0x8200] =	vst v63  }
0xb8: {  	v3 =	vadd.s32 v1, v3  }
0xb9: {  	[hbm4b:s6+s2] =	stream.indirect_vreg.scatter [tilespmem:s16], [sflag:$0x1], $0x80, v4, vm0, $0xb8;
	[tilespmem:$0x8200] =	vst v63  }
0xba: {  	_ = 	snop  }
0xbb: {  	[hbm4b:s7+s2] =	stream.indirect_vreg.scatter [tilespmem:s17], [sflag:$0x1], $0x80, v4, vm0, $0xb8;
	[tilespmem:$0x8200] =	vst v63  }
0xbc: {  	_ = 	snop  }
0xbd: {  	[hbm4b:s3+s2] =	stream.indirect_vreg.scatter [tilespmem:s18], [sflag:$0x1], $0x80, v3, vm0, $0xb8;
	[tilespmem:$0x8200] =	vst v63  }
0xbe: {  	_ = 	snop  }
0xbf: {  	[hbm4b:s5+s2] =	stream.indirect_vreg.scatter [tilespmem:s19], [sflag:$0x1], $0x80, v3, vm0, $0xb8;
	[tilespmem:$0x8200] =	vst v63  }
0xc0: {  	_ = 	snop  }
0xc1: {  	[hbm4b:s6+s2] =	stream.indirect_vreg.scatter [tilespmem:s20], [sflag:$0x1], $0x80, v3, vm0, $0xb8;
	[tilespmem:$0x8200] =	vst v63  }
0xc2: {  	_ = 	snop  }
0xc3: {  	[hbm4b:s7+s2] =	stream.indirect_vreg.scatter [tilespmem:s21], [sflag:$0x1], $0x80, v3, vm0, $0xb8;
	[tilespmem:$0x8200] =	vst v63  }
0xc4: {  	v3 =	vld [tilespmem:$0x190];
	_ =	sdelay $0x4  }
0xc5: {  	v63 =	vshll.u32 v3, $0x3  }
0xc6: {  	v3 =	vand.u32 $0x7, v3;
	v4 =	vand.u32 $0xFFFFFFC0, v63  }
0xc7: {  	v3 =	vor.u32 v3, v4  }
0xc8: {  	v4 =	vperm.xlane v3, v0;
	_ =	sdelay $0x1  }
0xc9: {  	v4 =	vadd.s32 v1, v4;
	_ =	sdelay $0x4  }
0xca: {  	[hbm4b:s3+s2] =	stream.indirect_vreg.scatter [tilespmem:s22], [sflag:$0x1], $0x80, v4, vm0, $0xb8;
	[tilespmem:$0x8200] =	vst v63  }
0xcb: {  	v3 =	vperm.xlane v3, v2  }
0xcc: {  	[hbm4b:s5+s2] =	stream.indirect_vreg.scatter [tilespmem:s23], [sflag:$0x1], $0x80, v4, vm0, $0xb8;
	[tilespmem:$0x8200] =	vst v63  }
0xcd: {  	v3 =	vadd.s32 v1, v3  }
0xce: {  	[hbm4b:s6+s2] =	stream.indirect_vreg.scatter [tilespmem:s24], [sflag:$0x1], $0x80, v4, vm0, $0xb8;
	[tilespmem:$0x8200] =	vst v63  }
0xcf: {  	_ = 	snop  }
0xd0: {  	[hbm4b:s7+s2] =	stream.indirect_vreg.scatter [tilespmem:s25], [sflag:$0x1], $0x80, v4, vm0, $0xb8;
	[tilespmem:$0x8200] =	vst v63  }
0xd1: {  	_ = 	snop  }
0xd2: {  	[hbm4b:s3+s2] =	stream.indirect_vreg.scatter [tilespmem:s26], [sflag:$0x1], $0x80, v3, vm0, $0xb8;
	[tilespmem:$0x8200] =	vst v63  }
0xd3: {  	_ = 	snop  }
0xd4: {  	[hbm4b:s5+s2] =	stream.indirect_vreg.scatter [tilespmem:s28], [sflag:$0x1], $0x80, v3, vm0, $0xb8;
	[tilespmem:$0x8200] =	vst v63  }
0xd5: {  	p0 =	sne.s32 s11, $0x1  }
0xd6: {  	[hbm4b:s6+s2] =	stream.indirect_vreg.scatter [tilespmem:s29], [sflag:$0x1], $0x80, v3, vm0, $0xb8;
	[tilespmem:$0x8200] =	vst v63  }
.Ltmp0:
0xd7: {  	_ = 	snop;
	(pc) =	sbr.rel @p0 .LBB2_1-.Ltmp0, $4  }
0xd8: {  	[hbm4b:s7+s2] =	stream.indirect_vreg.scatter [tilespmem:s30], [sflag:$0x1], $0x80, v3, vm0, $0xb8;
	[tilespmem:$0x8200] =	vst v63  }
0xd9: {  	_ =	swait.ge [sflag:s31], $0x8000  }
0xda: {  	[sflag:s31] =	ssyncset.done $0x0  }
0xdb: {  	s11 =	sadd.s32 $0xFFFFFFFF, s11;
	[sflag:s31] =	ssyncadd.s32 $0xFFFF8000  }
0xdc: {  	_ =	sfence.sel $0x180000  }
0xdd: {  	[bflag:$0x0] =	sbarrier.arrive $0xFFFF  }
0xde: {  	p0 =	sne.s32 s1, $0x0;
	_ =	strace $0x90000047  }
0xdf: {  	s0 =	sadd.s32 @!p0 $0x100000, s0;
	[bflag:$0x2] =	sbarrier.arrive $0xFFFF  }
0xe0: {  	[sflag:s0] =	ssyncadd.tile.s32 @!p0 $0x1;
	_ =	shalt  }
.Lfunc_end2:
_tile_overlayer_lowered:
.L_overlay_start_2:
0xe1: {  	(tag) =	ssettag $0x2  }
0xe2: {  	s0 =	rddreg [dreg:$0x0];
	s2 =	stileid.u32  }
0xe3: {  	s1 =	rddreg [dreg:$0x1];
	p0 =	sne.s32 s2, $0x0  }
0xe4: {  	s3 =	rddreg [dreg:$0x2];
	[bflag:$0x3] =	sbarrier.arrive $0xFFFF;
	s2 =	simm.s32 @!p0 $0x1C02  }
0xe5: {  	[timem:s3], [sflag:s2] =	dma.local @!p0 [hbm:s0], s1  }
0xe6: {  	s0 =	simm.s32 @!p0 $0x2  }
0xe7: {  	_ =	swait.ge @!p0 [sflag:s0], s1  }
0xe8: {  	s1 =	ssub.s32 @!p0 $0x0, s1;
	[sflag:s0] =	ssyncset.done @!p0 $0x0  }
0xe9: {  	[sflag:s0] =	ssyncadd.s32 @!p0 s1  }
0xea: {  	[bflag:$0x3] =	sbarrier.arrive $0xFFFF  }
0xeb: {  	_ =	shalt  }

</sc_bundles>
